<compile_context>
chip_gen: v7x
topology: tpu7x:2x2x1
jax: 0.10.2.dev20260603
libtpu: 0.0.44.dev20260713+nightly
codegen_flags: <defaults>
</compile_context>

<pallas_src>
import functools

import jax
import jax.numpy as jnp
from jax import lax
from jax.experimental import pallas as pl
from jax.experimental.pallas import tpu as pltpu
from jax.experimental.pallas import tpu_sc as plsc

_BLK = 4096
_K = 1024
_D = 256
_BT = 32768
_KT = 128

_NC = 2
_NS = 16
_NW = _NC * _NS
_B_PER_W = _BT // _NW
_CHUNK = 128
_NCHUNK = _B_PER_W // _CHUNK


def _c2_once(cb_ref, c2_ref):
    cb = cb_ref[...]
    c2_ref[...] = jnp.sum(cb * cb, axis=1)[None, :]


def _argmin_block(flat_ref, cb_ref, c2_ref, idx_ref):
    x = flat_ref[...]
    cb = cb_ref[...]
    c2 = c2_ref[...]
    s2 = lax.dot_general(
        x * -2.0, cb, (((1,), (1,)), ((), ())),
        preferred_element_type=jnp.float32)
    x2 = jnp.sum(x * x, axis=1, keepdims=True)

    lane = lax.broadcasted_iota(
        jnp.int32, (_BLK, _KT), 1).astype(jnp.float32)
    m = None
    im = None
    for t in range(_K // _KT):
        d_t = ((x2 + s2[:, t * _KT:(t + 1) * _KT])
               + c2[:, t * _KT:(t + 1) * _KT])
        if t == 0:
            m = d_t
            im = lane
        else:
            better = d_t < m
            im = jnp.where(better, lane + float(t * _KT), im)
            m = jnp.minimum(d_t, m)
    dmin = jnp.min(m, axis=1, keepdims=True)
    idx = jnp.min(jnp.where(m == dmin, im, float(_K)),
                  axis=1, keepdims=True)
    idx_ref[...] = idx.astype(jnp.int32)


def _compute_indices(flat, codebook):
    c2 = pl.pallas_call(
        _c2_once,
        out_shape=jax.ShapeDtypeStruct((1, _K), jnp.float32),
    )(codebook)
    nblk = _BT // _BLK
    idx_col = pl.pallas_call(
        _argmin_block,
        grid=(nblk,),
        in_specs=[
            pl.BlockSpec((_BLK, _D), lambda i: (i, 0)),
            pl.BlockSpec((_K, _D), lambda i: (0, 0)),
            pl.BlockSpec((1, _K), lambda i: (0, 0)),
        ],
        out_specs=pl.BlockSpec((_BLK, 1), lambda i: (i, 0)),
        out_shape=jax.ShapeDtypeStruct((_BT, 1), jnp.int32),
        compiler_params=pltpu.CompilerParams(
            dimension_semantics=("parallel",)),
    )(flat, codebook, c2)
    return idx_col.reshape(_BT)


@functools.partial(
    pl.kernel,
    mesh=plsc.VectorSubcoreMesh(core_axis_name="c", subcore_axis_name="s"),
    out_type=jax.ShapeDtypeStruct((_BT, _D), jnp.float32),
    scratch_types=[
        pltpu.VMEM((2, _CHUNK), jnp.int32),
        pltpu.VMEM((2, _CHUNK, _D), jnp.float32),
        pltpu.SemaphoreType.DMA((2,)),
        pltpu.SemaphoreType.DMA((2,)),
    ],
)
def _sc_gather(table_hbm, idx_hbm, out_hbm, idx_v, rows_v, gsem, wsem):
    wid = lax.axis_index("s") * _NC + lax.axis_index("c")
    base = wid * _B_PER_W
    gathers = [None] * _NCHUNK
    writes = [None] * _NCHUNK
    for j in range(_NCHUNK):
        bf = j % 2
        if j >= 2:
            writes[j - 2].wait()
        off = base + j * _CHUNK
        pltpu.sync_copy(idx_hbm.at[pl.ds(off, _CHUNK)], idx_v.at[bf])
        gathers[j] = pltpu.async_copy(
            table_hbm.at[idx_v.at[bf]], rows_v.at[bf], gsem.at[bf])
        if j >= 1:
            pb = (j - 1) % 2
            gathers[j - 1].wait()
            writes[j - 1] = pltpu.async_copy(
                rows_v.at[pb], out_hbm.at[pl.ds(off - _CHUNK, _CHUNK)],
                wsem.at[pb])
    lastb = (_NCHUNK - 1) % 2
    gathers[_NCHUNK - 1].wait()
    writes[_NCHUNK - 1] = pltpu.async_copy(
        rows_v.at[lastb],
        out_hbm.at[pl.ds(base + (_NCHUNK - 1) * _CHUNK, _CHUNK)],
        wsem.at[lastb])
    writes[_NCHUNK - 2].wait()
    writes[_NCHUNK - 1].wait()


@jax.jit
def kernel(h, codebook):
    b, t, d = h.shape
    flat = h.reshape(_BT, d)
    idx = _compute_indices(flat, codebook)
    q = _sc_gather(codebook, idx)
    return q.reshape(b, t, d), idx.reshape(b, t)

# --- scband reference (transcript-rebuilt; emitter-appended) ---
"""Pipeline reference for scband-speech-tokenizer-77360950936169 (READ-ONLY COPY).

The authoritative reference and input builder live on the scoring server;
editing this copy changes nothing except your own understanding.
"""

import jax, jax.numpy as jnp
import numpy as np


def setup_inputs(seed: int = 0) -> dict:
    key = jax.random.key(seed)
    k1, k2 = jax.random.split(key)
    h = jax.random.normal(k1, (16, 2048, 256), dtype=jnp.float32)
    codebook = jax.random.normal(k2, (1024, 256), dtype=jnp.float32) * 0.02
    return {"h": h, "codebook": codebook}


def reference(h, codebook):
    # Faithful translation of SpeechTokenizer.quantize (the VQ core of the module).
    # dists = ||flat - codebook||^2 expanded as ||x||^2 - 2 x.c + ||c||^2 (same math,
    # avoids materializing the [B*T, K, d] broadcast tensor).
    b, t, d = h.shape
    flat = h.reshape(-1, d)
    x2 = jnp.sum(flat * flat, axis=1, keepdims=True)          # [BT, 1]
    c2 = jnp.sum(codebook * codebook, axis=1)                  # [K]
    dists = x2 - 2.0 * (flat @ codebook.T) + c2[None, :]       # [BT, K]
    idx = jnp.argmin(dists, axis=1)                            # [BT]
    q = jnp.take(codebook, idx, axis=0).reshape(b, t, d)       # gather codes
    # straight-through estimator: q = h + (q - h).detach()
    q = h + jax.lax.stop_gradient(q - h)
    return q, idx.reshape(b, t)

if __name__ == "__main__":
    import jax
    _d = setup_inputs()
    print(jax.jit(kernel)(*tuple(_d.values())))

</pallas_src>

<mosaic_0001>
#map = affine_map<(d0, d1) -> (0, 0)>
#map1 = affine_map<(d0, d1) -> (0)>
module attributes {stable_mosaic.version = 14 : i64} {
  func.func @_sc_gather(%arg0: i32, %arg1: i32, %arg2: memref<1024x256xf32, #tpu.memory_space<hbm>>, %arg3: memref<32768xi32, #tpu.memory_space<hbm>>, %arg4: memref<32768x256xf32, #tpu.memory_space<hbm>>, %arg5: memref<2x128xi32, #tpu.memory_space<vmem>>, %arg6: memref<2x128x256xf32, #tpu.memory_space<vmem>>, %arg7: memref<2x!tpu.dma_semaphore, #tpu.memory_space<semaphore_mem>>, %arg8: memref<2x!tpu.dma_semaphore, #tpu.memory_space<semaphore_mem>>) attributes {dimension_semantics = [#tpu.dimension_semantics<core_parallel>, #tpu.dimension_semantics<subcore_parallel>], iteration_bounds = array<i64: 2, 16>, scalar_prefetch = 0 : i64, scratch_operands = 4 : i64, tpu.core_type = #tpu.core_type<sc_vector_subcore>, window_params = [{transform_indices = #map}, {transform_indices = #map1}, {transform_indices = #map}]} {
    %mul3A = arith.constant 2 : i32
    %mul3A_0 = arith.muli %arg1, %mul3A : i32
    %add3A = arith.addi %mul3A_0, %arg0 : i32
    %mul3A_1 = arith.constant 1024 : i32
    %mul3A_2 = arith.muli %add3A, %mul3A_1 : i32
    %add3A_3 = arith.constant 0 : i32
    %add3A_4 = arith.addi %mul3A_2, %add3A_3 : i32
    %run_scoped3A = arith.constant 0 : i32
    "tpu.region"() ({
      %run_scoped3A_535 = tpu.sem_alloc : memref<!tpu.dma_semaphore, #tpu.memory_space<semaphore_mem>>
      %dma_start3A_536 = arith.constant 0 : i32
      %dma_start3A_537 = tpu.memref_slice %arg5[%run_scoped3A, %dma_start3A_536] : memref<2x128xi32, #tpu.memory_space<vmem>> -> memref<1x128xi32, #tpu.memory_space<vmem>>
      %dma_start3A_538 = tpu.memref_squeeze %dma_start3A_537 : memref<1x128xi32, #tpu.memory_space<vmem>> -> memref<128xi32, #tpu.memory_space<vmem>>
      %dma_start3A_539 = tpu.memref_slice %arg3[%add3A_4] : memref<32768xi32, #tpu.memory_space<hbm>> -> memref<128xi32, #tpu.memory_space<hbm>>
      %dma_start3A_540 = arith.constant 0 : i32
      %dma_start3A_541 = tpu.memref_slice %arg5[%run_scoped3A, %dma_start3A_540] : memref<2x128xi32, #tpu.memory_space<vmem>> -> memref<1x128xi32, #tpu.memory_space<vmem>>
      %dma_start3A_542 = tpu.memref_squeeze %dma_start3A_541 : memref<1x128xi32, #tpu.memory_space<vmem>> -> memref<128xi32, #tpu.memory_space<vmem>>
      %dma_start3A_543 = tpu.memref_slice %arg3[%add3A_4] : memref<32768xi32, #tpu.memory_space<hbm>> -> memref<128xi32, #tpu.memory_space<hbm>>
      tpu.enqueue_dma source(%dma_start3A_543 : memref<128xi32, #tpu.memory_space<hbm>>) target(%dma_start3A_542 : memref<128xi32, #tpu.memory_space<vmem>>) target_semaphore(%run_scoped3A_535 : memref<!tpu.dma_semaphore, #tpu.memory_space<semaphore_mem>>)
      %dma_wait3A_544 = arith.constant 0 : i32
      %dma_wait3A_545 = tpu.memref_slice %arg5[%run_scoped3A, %dma_wait3A_544] : memref<2x128xi32, #tpu.memory_space<vmem>> -> memref<1x128xi32, #tpu.memory_space<vmem>>
      %dma_wait3A_546 = tpu.memref_squeeze %dma_wait3A_545 : memref<1x128xi32, #tpu.memory_space<vmem>> -> memref<128xi32, #tpu.memory_space<vmem>>
      %dma_wait3A_547 = tpu.memref_slice %arg3[%add3A_4] : memref<32768xi32, #tpu.memory_space<hbm>> -> memref<128xi32, #tpu.memory_space<hbm>>
      %dma_wait3A_548 = arith.constant 0 : i32
      %dma_wait3A_549 = tpu.memref_slice %arg5[%run_scoped3A, %dma_wait3A_548] : memref<2x128xi32, #tpu.memory_space<vmem>> -> memref<1x128xi32, #tpu.memory_space<vmem>>
      %dma_wait3A_550 = tpu.memref_squeeze %dma_wait3A_549 : memref<1x128xi32, #tpu.memory_space<vmem>> -> memref<128xi32, #tpu.memory_space<vmem>>
      %dma_wait3A_551 = tpu.memref_slice %arg3[%add3A_4] : memref<32768xi32, #tpu.memory_space<hbm>> -> memref<128xi32, #tpu.memory_space<hbm>>
      tpu.wait_dma2 semaphore(%run_scoped3A_535 : memref<!tpu.dma_semaphore, #tpu.memory_space<semaphore_mem>>) src(%dma_wait3A_551 : memref<128xi32, #tpu.memory_space<hbm>>) dst(%dma_wait3A_550 : memref<128xi32, #tpu.memory_space<vmem>>)
      tpu.yield
    }) : () -> ()
    %dma_start3A = arith.constant 0 : i32
    %dma_start3A_5 = arith.constant 0 : i32
    %dma_start3A_6 = arith.constant 0 : i32
    %dma_start3A_7 = arith.constant 0 : i32
    %dma_start3A_8 = arith.constant 0 : i32
    %dma_start3A_9 = tpu.memref_slice %arg6[%dma_start3A_5, %dma_start3A_7, %dma_start3A_8] : memref<2x128x256xf32, #tpu.memory_space<vmem>> -> memref<1x128x256xf32, #tpu.memory_space<vmem>>
    %dma_start3A_10 = tpu.memref_squeeze %dma_start3A_9 : memref<1x128x256xf32, #tpu.memory_space<vmem>> -> memref<128x256xf32, #tpu.memory_space<vmem>>
    %dma_start3A_11 = arith.constant 0 : i32
    %dma_start3A_12 = tpu.memref_slice %arg5[%dma_start3A, %dma_start3A_11] : memref<2x128xi32, #tpu.memory_space<vmem>> -> memref<1x128xi32, #tpu.memory_space<vmem>>
    %dma_start3A_13 = tpu.memref_squeeze %dma_start3A_12 : memref<1x128xi32, #tpu.memory_space<vmem>> -> memref<128xi32, #tpu.memory_space<vmem>>
    %dma_start3A_14 = arith.constant 0 : i32
    %dma_start3A_15 = arith.constant 0 : i32
    %dma_start3A_16 = tpu.memref_slice %arg2[%dma_start3A_14, %dma_start3A_15] : memref<1024x256xf32, #tpu.memory_space<hbm>> -> memref<1024x256xf32, #tpu.memory_space<hbm>>
    %dma_start3A_17 = tpu.memref_slice %arg7[%dma_start3A_6] : memref<2x!tpu.dma_semaphore, #tpu.memory_space<semaphore_mem>> -> memref<1x!tpu.dma_semaphore, #tpu.memory_space<semaphore_mem>>
    %dma_start3A_18 = tpu.memref_squeeze %dma_start3A_17 : memref<1x!tpu.dma_semaphore, #tpu.memory_space<semaphore_mem>> -> memref<!tpu.dma_semaphore, #tpu.memory_space<semaphore_mem>>
    tpu.enqueue_indirect_dma source(%dma_start3A_16 : memref<1024x256xf32, #tpu.memory_space<hbm>>) target(%dma_start3A_10 : memref<128x256xf32, #tpu.memory_space<vmem>>) offsets(%dma_start3A_13 : memref<128xi32, #tpu.memory_space<vmem>>) semaphore(%dma_start3A_18 : memref<!tpu.dma_semaphore, #tpu.memory_space<semaphore_mem>>)
    %add3A_19 = arith.constant 128 : i32
    %add3A_20 = arith.addi %mul3A_2, %add3A_19 : i32
    %run_scoped3A_21 = arith.constant 1 : i32
    "tpu.region"() ({
      %run_scoped3A_535 = tpu.sem_alloc : memref<!tpu.dma_semaphore, #tpu.memory_space<semaphore_mem>>
      %dma_start3A_536 = arith.constant 0 : i32
      %dma_start3A_537 = tpu.memref_slice %arg5[%run_scoped3A_21, %dma_start3A_536] : memref<2x128xi32, #tpu.memory_space<vmem>> -> memref<1x128xi32, #tpu.memory_space<vmem>>
      %dma_start3A_538 = tpu.memref_squeeze %dma_start3A_537 : memref<1x128xi32, #tpu.memory_space<vmem>> -> memref<128xi32, #tpu.memory_space<vmem>>
      %dma_start3A_539 = tpu.memref_slice %arg3[%add3A_20] : memref<32768xi32, #tpu.memory_space<hbm>> -> memref<128xi32, #tpu.memory_space<hbm>>
      %dma_start3A_540 = arith.constant 0 : i32
      %dma_start3A_541 = tpu.memref_slice %arg5[%run_scoped3A_21, %dma_start3A_540] : memref<2x128xi32, #tpu.memory_space<vmem>> -> memref<1x128xi32, #tpu.memory_space<vmem>>
      %dma_start3A_542 = tpu.memref_squeeze %dma_start3A_541 : memref<1x128xi32, #tpu.memory_space<vmem>> -> memref<128xi32, #tpu.memory_space<vmem>>
      %dma_start3A_543 = tpu.memref_slice %arg3[%add3A_20] : memref<32768xi32, #tpu.memory_space<hbm>> -> memref<128xi32, #tpu.memory_space<hbm>>
      tpu.enqueue_dma source(%dma_start3A_543 : memref<128xi32, #tpu.memory_space<hbm>>) target(%dma_start3A_542 : memref<128xi32, #tpu.memory_space<vmem>>) target_semaphore(%run_scoped3A_535 : memref<!tpu.dma_semaphore, #tpu.memory_space<semaphore_mem>>)
      %dma_wait3A_544 = arith.constant 0 : i32
      %dma_wait3A_545 = tpu.memref_slice %arg5[%run_scoped3A_21, %dma_wait3A_544] : memref<2x128xi32, #tpu.memory_space<vmem>> -> memref<1x128xi32, #tpu.memory_space<vmem>>
      %dma_wait3A_546 = tpu.memref_squeeze %dma_wait3A_545 : memref<1x128xi32, #tpu.memory_space<vmem>> -> memref<128xi32, #tpu.memory_space<vmem>>
      %dma_wait3A_547 = tpu.memref_slice %arg3[%add3A_20] : memref<32768xi32, #tpu.memory_space<hbm>> -> memref<128xi32, #tpu.memory_space<hbm>>
      %dma_wait3A_548 = arith.constant 0 : i32
      %dma_wait3A_549 = tpu.memref_slice %arg5[%run_scoped3A_21, %dma_wait3A_548] : memref<2x128xi32, #tpu.memory_space<vmem>> -> memref<1x128xi32, #tpu.memory_space<vmem>>
      %dma_wait3A_550 = tpu.memref_squeeze %dma_wait3A_549 : memref<1x128xi32, #tpu.memory_space<vmem>> -> memref<128xi32, #tpu.memory_space<vmem>>
      %dma_wait3A_551 = tpu.memref_slice %arg3[%add3A_20] : memref<32768xi32, #tpu.memory_space<hbm>> -> memref<128xi32, #tpu.memory_space<hbm>>
      tpu.wait_dma2 semaphore(%run_scoped3A_535 : memref<!tpu.dma_semaphore, #tpu.memory_space<semaphore_mem>>) src(%dma_wait3A_551 : memref<128xi32, #tpu.memory_space<hbm>>) dst(%dma_wait3A_550 : memref<128xi32, #tpu.memory_space<vmem>>)
      tpu.yield
    }) : () -> ()
    %dma_start3A_22 = arith.constant 1 : i32
    %dma_start3A_23 = arith.constant 1 : i32
    %dma_start3A_24 = arith.constant 1 : i32
    %dma_start3A_25 = arith.constant 0 : i32
    %dma_start3A_26 = arith.constant 0 : i32
    %dma_start3A_27 = tpu.memref_slice %arg6[%dma_start3A_23, %dma_start3A_25, %dma_start3A_26] : memref<2x128x256xf32, #tpu.memory_space<vmem>> -> memref<1x128x256xf32, #tpu.memory_space<vmem>>
    %dma_start3A_28 = tpu.memref_squeeze %dma_start3A_27 : memref<1x128x256xf32, #tpu.memory_space<vmem>> -> memref<128x256xf32, #tpu.memory_space<vmem>>
    %dma_start3A_29 = arith.constant 0 : i32
    %dma_start3A_30 = tpu.memref_slice %arg5[%dma_start3A_22, %dma_start3A_29] : memref<2x128xi32, #tpu.memory_space<vmem>> -> memref<1x128xi32, #tpu.memory_space<vmem>>
    %dma_start3A_31 = tpu.memref_squeeze %dma_start3A_30 : memref<1x128xi32, #tpu.memory_space<vmem>> -> memref<128xi32, #tpu.memory_space<vmem>>
    %dma_start3A_32 = arith.constant 0 : i32
    %dma_start3A_33 = arith.constant 0 : i32
    %dma_start3A_34 = tpu.memref_slice %arg2[%dma_start3A_32, %dma_start3A_33] : memref<1024x256xf32, #tpu.memory_space<hbm>> -> memref<1024x256xf32, #tpu.memory_space<hbm>>
    %dma_start3A_35 = tpu.memref_slice %arg7[%dma_start3A_24] : memref<2x!tpu.dma_semaphore, #tpu.memory_space<semaphore_mem>> -> memref<1x!tpu.dma_semaphore, #tpu.memory_space<semaphore_mem>>
    %dma_start3A_36 = tpu.memref_squeeze %dma_start3A_35 : memref<1x!tpu.dma_semaphore, #tpu.memory_space<semaphore_mem>> -> memref<!tpu.dma_semaphore, #tpu.memory_space<semaphore_mem>>
    tpu.enqueue_indirect_dma source(%dma_start3A_34 : memref<1024x256xf32, #tpu.memory_space<hbm>>) target(%dma_start3A_28 : memref<128x256xf32, #tpu.memory_space<vmem>>) offsets(%dma_start3A_31 : memref<128xi32, #tpu.memory_space<vmem>>) semaphore(%dma_start3A_36 : memref<!tpu.dma_semaphore, #tpu.memory_space<semaphore_mem>>)
    %dma_wait3A = arith.constant 0 : i32
    %dma_wait3A_37 = arith.constant 0 : i32
    %dma_wait3A_38 = arith.constant 0 : i32
    %dma_wait3A_39 = arith.constant 0 : i32
    %dma_wait3A_40 = arith.constant 0 : i32
    %dma_wait3A_41 = tpu.memref_slice %arg6[%dma_wait3A_37, %dma_wait3A_39, %dma_wait3A_40] : memref<2x128x256xf32, #tpu.memory_space<vmem>> -> memref<1x128x256xf32, #tpu.memory_space<vmem>>
    %dma_wait3A_42 = tpu.memref_squeeze %dma_wait3A_41 : memref<1x128x256xf32, #tpu.memory_space<vmem>> -> memref<128x256xf32, #tpu.memory_space<vmem>>
    %dma_wait3A_43 = arith.constant 0 : i32
    %dma_wait3A_44 = tpu.memref_slice %arg5[%dma_wait3A, %dma_wait3A_43] : memref<2x128xi32, #tpu.memory_space<vmem>> -> memref<1x128xi32, #tpu.memory_space<vmem>>
    %dma_wait3A_45 = tpu.memref_squeeze %dma_wait3A_44 : memref<1x128xi32, #tpu.memory_space<vmem>> -> memref<128xi32, #tpu.memory_space<vmem>>
    %dma_wait3A_46 = arith.constant 0 : i32
    %dma_wait3A_47 = arith.constant 0 : i32
    %dma_wait3A_48 = tpu.memref_slice %arg2[%dma_wait3A_46, %dma_wait3A_47] : memref<1024x256xf32, #tpu.memory_space<hbm>> -> memref<1024x256xf32, #tpu.memory_space<hbm>>
    %dma_wait3A_49 = tpu.memref_slice %arg7[%dma_wait3A_38] : memref<2x!tpu.dma_semaphore, #tpu.memory_space<semaphore_mem>> -> memref<1x!tpu.dma_semaphore, #tpu.memory_space<semaphore_mem>>
    %dma_wait3A_50 = tpu.memref_squeeze %dma_wait3A_49 : memref<1x!tpu.dma_semaphore, #tpu.memory_space<semaphore_mem>> -> memref<!tpu.dma_semaphore, #tpu.memory_space<semaphore_mem>>
    tpu.wait_indirect_dma semaphore(%dma_wait3A_50 : memref<!tpu.dma_semaphore, #tpu.memory_space<semaphore_mem>>) src(%dma_wait3A_48 : memref<1024x256xf32, #tpu.memory_space<hbm>>) dst(%dma_wait3A_42 : memref<128x256xf32, #tpu.memory_space<vmem>>)
    %sub3A = arith.constant 128 : i32
    %sub3A_51 = arith.subi %add3A_20, %sub3A : i32
    %dma_start3A_52 = arith.constant 0 : i32
    %dma_start3A_53 = arith.constant 0 : i32
    %dma_start3A_54 = arith.constant 0 : i32
    %dma_start3A_55 = arith.constant 0 : i32
    %dma_start3A_56 = tpu.memref_slice %arg6[%dma_start3A_52, %dma_start3A_54, %dma_start3A_55] : memref<2x128x256xf32, #tpu.memory_space<vmem>> -> memref<1x128x256xf32, #tpu.memory_space<vmem>>
    %dma_start3A_57 = tpu.memref_squeeze %dma_start3A_56 : memref<1x128x256xf32, #tpu.memory_space<vmem>> -> memref<128x256xf32, #tpu.memory_space<vmem>>
    %dma_start3A_58 = arith.constant 0 : i32
    %dma_start3A_59 = tpu.memref_slice %arg4[%sub3A_51, %dma_start3A_58] : memref<32768x256xf32, #tpu.memory_space<hbm>> -> memref<128x256xf32, #tpu.memory_space<hbm>>
    %dma_start3A_60 = tpu.memref_slice %arg8[%dma_start3A_53] : memref<2x!tpu.dma_semaphore, #tpu.memory_space<semaphore_mem>> -> memref<1x!tpu.dma_semaphore, #tpu.memory_space<semaphore_mem>>
    %dma_start3A_61 = tpu.memref_squeeze %dma_start3A_60 : memref<1x!tpu.dma_semaphore, #tpu.memory_space<semaphore_mem>> -> memref<!tpu.dma_semaphore, #tpu.memory_space<semaphore_mem>>
    %dma_start3A_62 = arith.constant 0 : i32
    %dma_start3A_63 = tpu.memref_slice %arg4[%sub3A_51, %dma_start3A_62] : memref<32768x256xf32, #tpu.memory_space<hbm>> -> memref<128x256xf32, #tpu.memory_space<hbm>>
    %dma_start3A_64 = arith.constant 0 : i32
    %dma_start3A_65 = arith.constant 0 : i32
    %dma_start3A_66 = tpu.memref_slice %arg6[%dma_start3A_52, %dma_start3A_64, %dma_start3A_65] : memref<2x128x256xf32, #tpu.memory_space<vmem>> -> memref<1x128x256xf32, #tpu.memory_space<vmem>>
    %dma_start3A_67 = tpu.memref_squeeze %dma_start3A_66 : memref<1x128x256xf32, #tpu.memory_space<vmem>> -> memref<128x256xf32, #tpu.memory_space<vmem>>
    tpu.enqueue_dma source(%dma_start3A_67 : memref<128x256xf32, #tpu.memory_space<vmem>>) target(%dma_start3A_63 : memref<128x256xf32, #tpu.memory_space<hbm>>) target_semaphore(%dma_start3A_61 : memref<!tpu.dma_semaphore, #tpu.memory_space<semaphore_mem>>)
    %dma_wait3A_68 = arith.constant 0 : i32
    %dma_wait3A_69 = arith.constant 0 : i32
    %dma_wait3A_70 = arith.constant 0 : i32
    %dma_wait3A_71 = arith.constant 0 : i32
    %dma_wait3A_72 = tpu.memref_slice %arg6[%dma_wait3A_68, %dma_wait3A_70, %dma_wait3A_71] : memref<2x128x256xf32, #tpu.memory_space<vmem>> -> memref<1x128x256xf32, #tpu.memory_space<vmem>>
    %dma_wait3A_73 = tpu.memref_squeeze %dma_wait3A_72 : memref<1x128x256xf32, #tpu.memory_space<vmem>> -> memref<128x256xf32, #tpu.memory_space<vmem>>
    %dma_wait3A_74 = arith.constant 0 : i32
    %dma_wait3A_75 = tpu.memref_slice %arg4[%sub3A_51, %dma_wait3A_74] : memref<32768x256xf32, #tpu.memory_space<hbm>> -> memref<128x256xf32, #tpu.memory_space<hbm>>
    %dma_wait3A_76 = tpu.memref_slice %arg8[%dma_wait3A_69] : memref<2x!tpu.dma_semaphore, #tpu.memory_space<semaphore_mem>> -> memref<1x!tpu.dma_semaphore, #tpu.memory_space<semaphore_mem>>
    %dma_wait3A_77 = tpu.memref_squeeze %dma_wait3A_76 : memref<1x!tpu.dma_semaphore, #tpu.memory_space<semaphore_mem>> -> memref<!tpu.dma_semaphore, #tpu.memory_space<semaphore_mem>>
    %dma_wait3A_78 = arith.constant 0 : i32
    %dma_wait3A_79 = tpu.memref_slice %arg4[%sub3A_51, %dma_wait3A_78] : memref<32768x256xf32, #tpu.memory_space<hbm>> -> memref<128x256xf32, #tpu.memory_space<hbm>>
    %dma_wait3A_80 = arith.constant 0 : i32
    %dma_wait3A_81 = arith.constant 0 : i32
    %dma_wait3A_82 = tpu.memref_slice %arg6[%dma_wait3A_68, %dma_wait3A_80, %dma_wait3A_81] : memref<2x128x256xf32, #tpu.memory_space<vmem>> -> memref<1x128x256xf32, #tpu.memory_space<vmem>>
    %dma_wait3A_83 = tpu.memref_squeeze %dma_wait3A_82 : memref<1x128x256xf32, #tpu.memory_space<vmem>> -> memref<128x256xf32, #tpu.memory_space<vmem>>
    tpu.wait_dma2 semaphore(%dma_wait3A_77 : memref<!tpu.dma_semaphore, #tpu.memory_space<semaphore_mem>>) src(%dma_wait3A_83 : memref<128x256xf32, #tpu.memory_space<vmem>>) dst(%dma_wait3A_79 : memref<128x256xf32, #tpu.memory_space<hbm>>)
    %add3A_84 = arith.constant 256 : i32
    %add3A_85 = arith.addi %mul3A_2, %add3A_84 : i32
    %run_scoped3A_86 = arith.constant 0 : i32
    "tpu.region"() ({
      %run_scoped3A_535 = tpu.sem_alloc : memref<!tpu.dma_semaphore, #tpu.memory_space<semaphore_mem>>
      %dma_start3A_536 = arith.constant 0 : i32
      %dma_start3A_537 = tpu.memref_slice %arg5[%run_scoped3A_86, %dma_start3A_536] : memref<2x128xi32, #tpu.memory_space<vmem>> -> memref<1x128xi32, #tpu.memory_space<vmem>>
      %dma_start3A_538 = tpu.memref_squeeze %dma_start3A_537 : memref<1x128xi32, #tpu.memory_space<vmem>> -> memref<128xi32, #tpu.memory_space<vmem>>
      %dma_start3A_539 = tpu.memref_slice %arg3[%add3A_85] : memref<32768xi32, #tpu.memory_space<hbm>> -> memref<128xi32, #tpu.memory_space<hbm>>
      %dma_start3A_540 = arith.constant 0 : i32
      %dma_start3A_541 = tpu.memref_slice %arg5[%run_scoped3A_86, %dma_start3A_540] : memref<2x128xi32, #tpu.memory_space<vmem>> -> memref<1x128xi32, #tpu.memory_space<vmem>>
      %dma_start3A_542 = tpu.memref_squeeze %dma_start3A_541 : memref<1x128xi32, #tpu.memory_space<vmem>> -> memref<128xi32, #tpu.memory_space<vmem>>
      %dma_start3A_543 = tpu.memref_slice %arg3[%add3A_85] : memref<32768xi32, #tpu.memory_space<hbm>> -> memref<128xi32, #tpu.memory_space<hbm>>
      tpu.enqueue_dma source(%dma_start3A_543 : memref<128xi32, #tpu.memory_space<hbm>>) target(%dma_start3A_542 : memref<128xi32, #tpu.memory_space<vmem>>) target_semaphore(%run_scoped3A_535 : memref<!tpu.dma_semaphore, #tpu.memory_space<semaphore_mem>>)
      %dma_wait3A_544 = arith.constant 0 : i32
      %dma_wait3A_545 = tpu.memref_slice %arg5[%run_scoped3A_86, %dma_wait3A_544] : memref<2x128xi32, #tpu.memory_space<vmem>> -> memref<1x128xi32, #tpu.memory_space<vmem>>
      %dma_wait3A_546 = tpu.memref_squeeze %dma_wait3A_545 : memref<1x128xi32, #tpu.memory_space<vmem>> -> memref<128xi32, #tpu.memory_space<vmem>>
      %dma_wait3A_547 = tpu.memref_slice %arg3[%add3A_85] : memref<32768xi32, #tpu.memory_space<hbm>> -> memref<128xi32, #tpu.memory_space<hbm>>
      %dma_wait3A_548 = arith.constant 0 : i32
      %dma_wait3A_549 = tpu.memref_slice %arg5[%run_scoped3A_86, %dma_wait3A_548] : memref<2x128xi32, #tpu.memory_space<vmem>> -> memref<1x128xi32, #tpu.memory_space<vmem>>
      %dma_wait3A_550 = tpu.memref_squeeze %dma_wait3A_549 : memref<1x128xi32, #tpu.memory_space<vmem>> -> memref<128xi32, #tpu.memory_space<vmem>>
      %dma_wait3A_551 = tpu.memref_slice %arg3[%add3A_85] : memref<32768xi32, #tpu.memory_space<hbm>> -> memref<128xi32, #tpu.memory_space<hbm>>
      tpu.wait_dma2 semaphore(%run_scoped3A_535 : memref<!tpu.dma_semaphore, #tpu.memory_space<semaphore_mem>>) src(%dma_wait3A_551 : memref<128xi32, #tpu.memory_space<hbm>>) dst(%dma_wait3A_550 : memref<128xi32, #tpu.memory_space<vmem>>)
      tpu.yield
    }) : () -> ()
    %dma_start3A_87 = arith.constant 0 : i32
    %dma_start3A_88 = arith.constant 0 : i32
    %dma_start3A_89 = arith.constant 0 : i32
    %dma_start3A_90 = arith.constant 0 : i32
    %dma_start3A_91 = arith.constant 0 : i32
    %dma_start3A_92 = tpu.memref_slice %arg6[%dma_start3A_88, %dma_start3A_90, %dma_start3A_91] : memref<2x128x256xf32, #tpu.memory_space<vmem>> -> memref<1x128x256xf32, #tpu.memory_space<vmem>>
    %dma_start3A_93 = tpu.memref_squeeze %dma_start3A_92 : memref<1x128x256xf32, #tpu.memory_space<vmem>> -> memref<128x256xf32, #tpu.memory_space<vmem>>
    %dma_start3A_94 = arith.constant 0 : i32
    %dma_start3A_95 = tpu.memref_slice %arg5[%dma_start3A_87, %dma_start3A_94] : memref<2x128xi32, #tpu.memory_space<vmem>> -> memref<1x128xi32, #tpu.memory_space<vmem>>
    %dma_start3A_96 = tpu.memref_squeeze %dma_start3A_95 : memref<1x128xi32, #tpu.memory_space<vmem>> -> memref<128xi32, #tpu.memory_space<vmem>>
    %dma_start3A_97 = arith.constant 0 : i32
    %dma_start3A_98 = arith.constant 0 : i32
    %dma_start3A_99 = tpu.memref_slice %arg2[%dma_start3A_97, %dma_start3A_98] : memref<1024x256xf32, #tpu.memory_space<hbm>> -> memref<1024x256xf32, #tpu.memory_space<hbm>>
    %dma_start3A_100 = tpu.memref_slice %arg7[%dma_start3A_89] : memref<2x!tpu.dma_semaphore, #tpu.memory_space<semaphore_mem>> -> memref<1x!tpu.dma_semaphore, #tpu.memory_space<semaphore_mem>>
    %dma_start3A_101 = tpu.memref_squeeze %dma_start3A_100 : memref<1x!tpu.dma_semaphore, #tpu.memory_space<semaphore_mem>> -> memref<!tpu.dma_semaphore, #tpu.memory_space<semaphore_mem>>
    tpu.enqueue_indirect_dma source(%dma_start3A_99 : memref<1024x256xf32, #tpu.memory_space<hbm>>) target(%dma_start3A_93 : memref<128x256xf32, #tpu.memory_space<vmem>>) offsets(%dma_start3A_96 : memref<128xi32, #tpu.memory_space<vmem>>) semaphore(%dma_start3A_101 : memref<!tpu.dma_semaphore, #tpu.memory_space<semaphore_mem>>)
    %dma_wait3A_102 = arith.constant 1 : i32
    %dma_wait3A_103 = arith.constant 1 : i32
    %dma_wait3A_104 = arith.constant 1 : i32
    %dma_wait3A_105 = arith.constant 0 : i32
    %dma_wait3A_106 = arith.constant 0 : i32
    %dma_wait3A_107 = tpu.memref_slice %arg6[%dma_wait3A_103, %dma_wait3A_105, %dma_wait3A_106] : memref<2x128x256xf32, #tpu.memory_space<vmem>> -> memref<1x128x256xf32, #tpu.memory_space<vmem>>
    %dma_wait3A_108 = tpu.memref_squeeze %dma_wait3A_107 : memref<1x128x256xf32, #tpu.memory_space<vmem>> -> memref<128x256xf32, #tpu.memory_space<vmem>>
    %dma_wait3A_109 = arith.constant 0 : i32
    %dma_wait3A_110 = tpu.memref_slice %arg5[%dma_wait3A_102, %dma_wait3A_109] : memref<2x128xi32, #tpu.memory_space<vmem>> -> memref<1x128xi32, #tpu.memory_space<vmem>>
    %dma_wait3A_111 = tpu.memref_squeeze %dma_wait3A_110 : memref<1x128xi32, #tpu.memory_space<vmem>> -> memref<128xi32, #tpu.memory_space<vmem>>
    %dma_wait3A_112 = arith.constant 0 : i32
    %dma_wait3A_113 = arith.constant 0 : i32
    %dma_wait3A_114 = tpu.memref_slice %arg2[%dma_wait3A_112, %dma_wait3A_113] : memref<1024x256xf32, #tpu.memory_space<hbm>> -> memref<1024x256xf32, #tpu.memory_space<hbm>>
    %dma_wait3A_115 = tpu.memref_slice %arg7[%dma_wait3A_104] : memref<2x!tpu.dma_semaphore, #tpu.memory_space<semaphore_mem>> -> memref<1x!tpu.dma_semaphore, #tpu.memory_space<semaphore_mem>>
    %dma_wait3A_116 = tpu.memref_squeeze %dma_wait3A_115 : memref<1x!tpu.dma_semaphore, #tpu.memory_space<semaphore_mem>> -> memref<!tpu.dma_semaphore, #tpu.memory_space<semaphore_mem>>
    tpu.wait_indirect_dma semaphore(%dma_wait3A_116 : memref<!tpu.dma_semaphore, #tpu.memory_space<semaphore_mem>>) src(%dma_wait3A_114 : memref<1024x256xf32, #tpu.memory_space<hbm>>) dst(%dma_wait3A_108 : memref<128x256xf32, #tpu.memory_space<vmem>>)
    %sub3A_117 = arith.constant 128 : i32
    %sub3A_118 = arith.subi %add3A_85, %sub3A_117 : i32
    %dma_start3A_119 = arith.constant 1 : i32
    %dma_start3A_120 = arith.constant 1 : i32
    %dma_start3A_121 = arith.constant 0 : i32
    %dma_start3A_122 = arith.constant 0 : i32
    %dma_start3A_123 = tpu.memref_slice %arg6[%dma_start3A_119, %dma_start3A_121, %dma_start3A_122] : memref<2x128x256xf32, #tpu.memory_space<vmem>> -> memref<1x128x256xf32, #tpu.memory_space<vmem>>
    %dma_start3A_124 = tpu.memref_squeeze %dma_start3A_123 : memref<1x128x256xf32, #tpu.memory_space<vmem>> -> memref<128x256xf32, #tpu.memory_space<vmem>>
    %dma_start3A_125 = arith.constant 0 : i32
    %dma_start3A_126 = tpu.memref_slice %arg4[%sub3A_118, %dma_start3A_125] : memref<32768x256xf32, #tpu.memory_space<hbm>> -> memref<128x256xf32, #tpu.memory_space<hbm>>
    %dma_start3A_127 = tpu.memref_slice %arg8[%dma_start3A_120] : memref<2x!tpu.dma_semaphore, #tpu.memory_space<semaphore_mem>> -> memref<1x!tpu.dma_semaphore, #tpu.memory_space<semaphore_mem>>
    %dma_start3A_128 = tpu.memref_squeeze %dma_start3A_127 : memref<1x!tpu.dma_semaphore, #tpu.memory_space<semaphore_mem>> -> memref<!tpu.dma_semaphore, #tpu.memory_space<semaphore_mem>>
    %dma_start3A_129 = arith.constant 0 : i32
    %dma_start3A_130 = tpu.memref_slice %arg4[%sub3A_118, %dma_start3A_129] : memref<32768x256xf32, #tpu.memory_space<hbm>> -> memref<128x256xf32, #tpu.memory_space<hbm>>
    %dma_start3A_131 = arith.constant 0 : i32
    %dma_start3A_132 = arith.constant 0 : i32
    %dma_start3A_133 = tpu.memref_slice %arg6[%dma_start3A_119, %dma_start3A_131, %dma_start3A_132] : memref<2x128x256xf32, #tpu.memory_space<vmem>> -> memref<1x128x256xf32, #tpu.memory_space<vmem>>
    %dma_start3A_134 = tpu.memref_squeeze %dma_start3A_133 : memref<1x128x256xf32, #tpu.memory_space<vmem>> -> memref<128x256xf32, #tpu.memory_space<vmem>>
    tpu.enqueue_dma source(%dma_start3A_134 : memref<128x256xf32, #tpu.memory_space<vmem>>) target(%dma_start3A_130 : memref<128x256xf32, #tpu.memory_space<hbm>>) target_semaphore(%dma_start3A_128 : memref<!tpu.dma_semaphore, #tpu.memory_space<semaphore_mem>>)
    %dma_wait3A_135 = arith.constant 1 : i32
    %dma_wait3A_136 = arith.constant 1 : i32
    %dma_wait3A_137 = arith.constant 0 : i32
    %dma_wait3A_138 = arith.constant 0 : i32
    %dma_wait3A_139 = tpu.memref_slice %arg6[%dma_wait3A_135, %dma_wait3A_137, %dma_wait3A_138] : memref<2x128x256xf32, #tpu.memory_space<vmem>> -> memref<1x128x256xf32, #tpu.memory_space<vmem>>
    %dma_wait3A_140 = tpu.memref_squeeze %dma_wait3A_139 : memref<1x128x256xf32, #tpu.memory_space<vmem>> -> memref<128x256xf32, #tpu.memory_space<vmem>>
    %dma_wait3A_141 = arith.constant 0 : i32
    %dma_wait3A_142 = tpu.memref_slice %arg4[%sub3A_118, %dma_wait3A_141] : memref<32768x256xf32, #tpu.memory_space<hbm>> -> memref<128x256xf32, #tpu.memory_space<hbm>>
    %dma_wait3A_143 = tpu.memref_slice %arg8[%dma_wait3A_136] : memref<2x!tpu.dma_semaphore, #tpu.memory_space<semaphore_mem>> -> memref<1x!tpu.dma_semaphore, #tpu.memory_space<semaphore_mem>>
    %dma_wait3A_144 = tpu.memref_squeeze %dma_wait3A_143 : memref<1x!tpu.dma_semaphore, #tpu.memory_space<semaphore_mem>> -> memref<!tpu.dma_semaphore, #tpu.memory_space<semaphore_mem>>
    %dma_wait3A_145 = arith.constant 0 : i32
    %dma_wait3A_146 = tpu.memref_slice %arg4[%sub3A_118, %dma_wait3A_145] : memref<32768x256xf32, #tpu.memory_space<hbm>> -> memref<128x256xf32, #tpu.memory_space<hbm>>
    %dma_wait3A_147 = arith.constant 0 : i32
    %dma_wait3A_148 = arith.constant 0 : i32
    %dma_wait3A_149 = tpu.memref_slice %arg6[%dma_wait3A_135, %dma_wait3A_147, %dma_wait3A_148] : memref<2x128x256xf32, #tpu.memory_space<vmem>> -> memref<1x128x256xf32, #tpu.memory_space<vmem>>
    %dma_wait3A_150 = tpu.memref_squeeze %dma_wait3A_149 : memref<1x128x256xf32, #tpu.memory_space<vmem>> -> memref<128x256xf32, #tpu.memory_space<vmem>>
    tpu.wait_dma2 semaphore(%dma_wait3A_144 : memref<!tpu.dma_semaphore, #tpu.memory_space<semaphore_mem>>) src(%dma_wait3A_150 : memref<128x256xf32, #tpu.memory_space<vmem>>) dst(%dma_wait3A_146 : memref<128x256xf32, #tpu.memory_space<hbm>>)
    %add3A_151 = arith.constant 384 : i32
    %add3A_152 = arith.addi %mul3A_2, %add3A_151 : i32
    %run_scoped3A_153 = arith.constant 1 : i32
    "tpu.region"() ({
      %run_scoped3A_535 = tpu.sem_alloc : memref<!tpu.dma_semaphore, #tpu.memory_space<semaphore_mem>>
      %dma_start3A_536 = arith.constant 0 : i32
      %dma_start3A_537 = tpu.memref_slice %arg5[%run_scoped3A_153, %dma_start3A_536] : memref<2x128xi32, #tpu.memory_space<vmem>> -> memref<1x128xi32, #tpu.memory_space<vmem>>
      %dma_start3A_538 = tpu.memref_squeeze %dma_start3A_537 : memref<1x128xi32, #tpu.memory_space<vmem>> -> memref<128xi32, #tpu.memory_space<vmem>>
      %dma_start3A_539 = tpu.memref_slice %arg3[%add3A_152] : memref<32768xi32, #tpu.memory_space<hbm>> -> memref<128xi32, #tpu.memory_space<hbm>>
      %dma_start3A_540 = arith.constant 0 : i32
      %dma_start3A_541 = tpu.memref_slice %arg5[%run_scoped3A_153, %dma_start3A_540] : memref<2x128xi32, #tpu.memory_space<vmem>> -> memref<1x128xi32, #tpu.memory_space<vmem>>
      %dma_start3A_542 = tpu.memref_squeeze %dma_start3A_541 : memref<1x128xi32, #tpu.memory_space<vmem>> -> memref<128xi32, #tpu.memory_space<vmem>>
      %dma_start3A_543 = tpu.memref_slice %arg3[%add3A_152] : memref<32768xi32, #tpu.memory_space<hbm>> -> memref<128xi32, #tpu.memory_space<hbm>>
      tpu.enqueue_dma source(%dma_start3A_543 : memref<128xi32, #tpu.memory_space<hbm>>) target(%dma_start3A_542 : memref<128xi32, #tpu.memory_space<vmem>>) target_semaphore(%run_scoped3A_535 : memref<!tpu.dma_semaphore, #tpu.memory_space<semaphore_mem>>)
      %dma_wait3A_544 = arith.constant 0 : i32
      %dma_wait3A_545 = tpu.memref_slice %arg5[%run_scoped3A_153, %dma_wait3A_544] : memref<2x128xi32, #tpu.memory_space<vmem>> -> memref<1x128xi32, #tpu.memory_space<vmem>>
      %dma_wait3A_546 = tpu.memref_squeeze %dma_wait3A_545 : memref<1x128xi32, #tpu.memory_space<vmem>> -> memref<128xi32, #tpu.memory_space<vmem>>
      %dma_wait3A_547 = tpu.memref_slice %arg3[%add3A_152] : memref<32768xi32, #tpu.memory_space<hbm>> -> memref<128xi32, #tpu.memory_space<hbm>>
      %dma_wait3A_548 = arith.constant 0 : i32
      %dma_wait3A_549 = tpu.memref_slice %arg5[%run_scoped3A_153, %dma_wait3A_548] : memref<2x128xi32, #tpu.memory_space<vmem>> -> memref<1x128xi32, #tpu.memory_space<vmem>>
      %dma_wait3A_550 = tpu.memref_squeeze %dma_wait3A_549 : memref<1x128xi32, #tpu.memory_space<vmem>> -> memref<128xi32, #tpu.memory_space<vmem>>
      %dma_wait3A_551 = tpu.memref_slice %arg3[%add3A_152] : memref<32768xi32, #tpu.memory_space<hbm>> -> memref<128xi32, #tpu.memory_space<hbm>>
      tpu.wait_dma2 semaphore(%run_scoped3A_535 : memref<!tpu.dma_semaphore, #tpu.memory_space<semaphore_mem>>) src(%dma_wait3A_551 : memref<128xi32, #tpu.memory_space<hbm>>) dst(%dma_wait3A_550 : memref<128xi32, #tpu.memory_space<vmem>>)
      tpu.yield
    }) : () -> ()
    %dma_start3A_154 = arith.constant 1 : i32
    %dma_start3A_155 = arith.constant 1 : i32
    %dma_start3A_156 = arith.constant 1 : i32
    %dma_start3A_157 = arith.constant 0 : i32
    %dma_start3A_158 = arith.constant 0 : i32
    %dma_start3A_159 = tpu.memref_slice %arg6[%dma_start3A_155, %dma_start3A_157, %dma_start3A_158] : memref<2x128x256xf32, #tpu.memory_space<vmem>> -> memref<1x128x256xf32, #tpu.memory_space<vmem>>
    %dma_start3A_160 = tpu.memref_squeeze %dma_start3A_159 : memref<1x128x256xf32, #tpu.memory_space<vmem>> -> memref<128x256xf32, #tpu.memory_space<vmem>>
    %dma_start3A_161 = arith.constant 0 : i32
    %dma_start3A_162 = tpu.memref_slice %arg5[%dma_start3A_154, %dma_start3A_161] : memref<2x128xi32, #tpu.memory_space<vmem>> -> memref<1x128xi32, #tpu.memory_space<vmem>>
    %dma_start3A_163 = tpu.memref_squeeze %dma_start3A_162 : memref<1x128xi32, #tpu.memory_space<vmem>> -> memref<128xi32, #tpu.memory_space<vmem>>
    %dma_start3A_164 = arith.constant 0 : i32
    %dma_start3A_165 = arith.constant 0 : i32
    %dma_start3A_166 = tpu.memref_slice %arg2[%dma_start3A_164, %dma_start3A_165] : memref<1024x256xf32, #tpu.memory_space<hbm>> -> memref<1024x256xf32, #tpu.memory_space<hbm>>
    %dma_start3A_167 = tpu.memref_slice %arg7[%dma_start3A_156] : memref<2x!tpu.dma_semaphore, #tpu.memory_space<semaphore_mem>> -> memref<1x!tpu.dma_semaphore, #tpu.memory_space<semaphore_mem>>
    %dma_start3A_168 = tpu.memref_squeeze %dma_start3A_167 : memref<1x!tpu.dma_semaphore, #tpu.memory_space<semaphore_mem>> -> memref<!tpu.dma_semaphore, #tpu.memory_space<semaphore_mem>>
    tpu.enqueue_indirect_dma source(%dma_start3A_166 : memref<1024x256xf32, #tpu.memory_space<hbm>>) target(%dma_start3A_160 : memref<128x256xf32, #tpu.memory_space<vmem>>) offsets(%dma_start3A_163 : memref<128xi32, #tpu.memory_space<vmem>>) semaphore(%dma_start3A_168 : memref<!tpu.dma_semaphore, #tpu.memory_space<semaphore_mem>>)
    %dma_wait3A_169 = arith.constant 0 : i32
    %dma_wait3A_170 = arith.constant 0 : i32
    %dma_wait3A_171 = arith.constant 0 : i32
    %dma_wait3A_172 = arith.constant 0 : i32
    %dma_wait3A_173 = arith.constant 0 : i32
    %dma_wait3A_174 = tpu.memref_slice %arg6[%dma_wait3A_170, %dma_wait3A_172, %dma_wait3A_173] : memref<2x128x256xf32, #tpu.memory_space<vmem>> -> memref<1x128x256xf32, #tpu.memory_space<vmem>>
    %dma_wait3A_175 = tpu.memref_squeeze %dma_wait3A_174 : memref<1x128x256xf32, #tpu.memory_space<vmem>> -> memref<128x256xf32, #tpu.memory_space<vmem>>
    %dma_wait3A_176 = arith.constant 0 : i32
    %dma_wait3A_177 = tpu.memref_slice %arg5[%dma_wait3A_169, %dma_wait3A_176] : memref<2x128xi32, #tpu.memory_space<vmem>> -> memref<1x128xi32, #tpu.memory_space<vmem>>
    %dma_wait3A_178 = tpu.memref_squeeze %dma_wait3A_177 : memref<1x128xi32, #tpu.memory_space<vmem>> -> memref<128xi32, #tpu.memory_space<vmem>>
    %dma_wait3A_179 = arith.constant 0 : i32
    %dma_wait3A_180 = arith.constant 0 : i32
    %dma_wait3A_181 = tpu.memref_slice %arg2[%dma_wait3A_179, %dma_wait3A_180] : memref<1024x256xf32, #tpu.memory_space<hbm>> -> memref<1024x256xf32, #tpu.memory_space<hbm>>
    %dma_wait3A_182 = tpu.memref_slice %arg7[%dma_wait3A_171] : memref<2x!tpu.dma_semaphore, #tpu.memory_space<semaphore_mem>> -> memref<1x!tpu.dma_semaphore, #tpu.memory_space<semaphore_mem>>
    %dma_wait3A_183 = tpu.memref_squeeze %dma_wait3A_182 : memref<1x!tpu.dma_semaphore, #tpu.memory_space<semaphore_mem>> -> memref<!tpu.dma_semaphore, #tpu.memory_space<semaphore_mem>>
    tpu.wait_indirect_dma semaphore(%dma_wait3A_183 : memref<!tpu.dma_semaphore, #tpu.memory_space<semaphore_mem>>) src(%dma_wait3A_181 : memref<1024x256xf32, #tpu.memory_space<hbm>>) dst(%dma_wait3A_175 : memref<128x256xf32, #tpu.memory_space<vmem>>)
    %sub3A_184 = arith.constant 128 : i32
    %sub3A_185 = arith.subi %add3A_152, %sub3A_184 : i32
    %dma_start3A_186 = arith.constant 0 : i32
    %dma_start3A_187 = arith.constant 0 : i32
    %dma_start3A_188 = arith.constant 0 : i32
    %dma_start3A_189 = arith.constant 0 : i32
    %dma_start3A_190 = tpu.memref_slice %arg6[%dma_start3A_186, %dma_start3A_188, %dma_start3A_189] : memref<2x128x256xf32, #tpu.memory_space<vmem>> -> memref<1x128x256xf32, #tpu.memory_space<vmem>>
    %dma_start3A_191 = tpu.memref_squeeze %dma_start3A_190 : memref<1x128x256xf32, #tpu.memory_space<vmem>> -> memref<128x256xf32, #tpu.memory_space<vmem>>
    %dma_start3A_192 = arith.constant 0 : i32
    %dma_start3A_193 = tpu.memref_slice %arg4[%sub3A_185, %dma_start3A_192] : memref<32768x256xf32, #tpu.memory_space<hbm>> -> memref<128x256xf32, #tpu.memory_space<hbm>>
    %dma_start3A_194 = tpu.memref_slice %arg8[%dma_start3A_187] : memref<2x!tpu.dma_semaphore, #tpu.memory_space<semaphore_mem>> -> memref<1x!tpu.dma_semaphore, #tpu.memory_space<semaphore_mem>>
    %dma_start3A_195 = tpu.memref_squeeze %dma_start3A_194 : memref<1x!tpu.dma_semaphore, #tpu.memory_space<semaphore_mem>> -> memref<!tpu.dma_semaphore, #tpu.memory_space<semaphore_mem>>
    %dma_start3A_196 = arith.constant 0 : i32
    %dma_start3A_197 = tpu.memref_slice %arg4[%sub3A_185, %dma_start3A_196] : memref<32768x256xf32, #tpu.memory_space<hbm>> -> memref<128x256xf32, #tpu.memory_space<hbm>>
    %dma_start3A_198 = arith.constant 0 : i32
    %dma_start3A_199 = arith.constant 0 : i32
    %dma_start3A_200 = tpu.memref_slice %arg6[%dma_start3A_186, %dma_start3A_198, %dma_start3A_199] : memref<2x128x256xf32, #tpu.memory_space<vmem>> -> memref<1x128x256xf32, #tpu.memory_space<vmem>>
    %dma_start3A_201 = tpu.memref_squeeze %dma_start3A_200 : memref<1x128x256xf32, #tpu.memory_space<vmem>> -> memref<128x256xf32, #tpu.memory_space<vmem>>
    tpu.enqueue_dma source(%dma_start3A_201 : memref<128x256xf32, #tpu.memory_space<vmem>>) target(%dma_start3A_197 : memref<128x256xf32, #tpu.memory_space<hbm>>) target_semaphore(%dma_start3A_195 : memref<!tpu.dma_semaphore, #tpu.memory_space<semaphore_mem>>)
    %dma_wait3A_202 = arith.constant 0 : i32
    %dma_wait3A_203 = arith.constant 0 : i32
    %dma_wait3A_204 = arith.constant 0 : i32
    %dma_wait3A_205 = arith.constant 0 : i32
    %dma_wait3A_206 = tpu.memref_slice %arg6[%dma_wait3A_202, %dma_wait3A_204, %dma_wait3A_205] : memref<2x128x256xf32, #tpu.memory_space<vmem>> -> memref<1x128x256xf32, #tpu.memory_space<vmem>>
    %dma_wait3A_207 = tpu.memref_squeeze %dma_wait3A_206 : memref<1x128x256xf32, #tpu.memory_space<vmem>> -> memref<128x256xf32, #tpu.memory_space<vmem>>
    %dma_wait3A_208 = arith.constant 0 : i32
    %dma_wait3A_209 = tpu.memref_slice %arg4[%sub3A_185, %dma_wait3A_208] : memref<32768x256xf32, #tpu.memory_space<hbm>> -> memref<128x256xf32, #tpu.memory_space<hbm>>
    %dma_wait3A_210 = tpu.memref_slice %arg8[%dma_wait3A_203] : memref<2x!tpu.dma_semaphore, #tpu.memory_space<semaphore_mem>> -> memref<1x!tpu.dma_semaphore, #tpu.memory_space<semaphore_mem>>
    %dma_wait3A_211 = tpu.memref_squeeze %dma_wait3A_210 : memref<1x!tpu.dma_semaphore, #tpu.memory_space<semaphore_mem>> -> memref<!tpu.dma_semaphore, #tpu.memory_space<semaphore_mem>>
    %dma_wait3A_212 = arith.constant 0 : i32
    %dma_wait3A_213 = tpu.memref_slice %arg4[%sub3A_185, %dma_wait3A_212] : memref<32768x256xf32, #tpu.memory_space<hbm>> -> memref<128x256xf32, #tpu.memory_space<hbm>>
    %dma_wait3A_214 = arith.constant 0 : i32
    %dma_wait3A_215 = arith.constant 0 : i32
    %dma_wait3A_216 = tpu.memref_slice %arg6[%dma_wait3A_202, %dma_wait3A_214, %dma_wait3A_215] : memref<2x128x256xf32, #tpu.memory_space<vmem>> -> memref<1x128x256xf32, #tpu.memory_space<vmem>>
    %dma_wait3A_217 = tpu.memref_squeeze %dma_wait3A_216 : memref<1x128x256xf32, #tpu.memory_space<vmem>> -> memref<128x256xf32, #tpu.memory_space<vmem>>
    tpu.wait_dma2 semaphore(%dma_wait3A_211 : memref<!tpu.dma_semaphore, #tpu.memory_space<semaphore_mem>>) src(%dma_wait3A_217 : memref<128x256xf32, #tpu.memory_space<vmem>>) dst(%dma_wait3A_213 : memref<128x256xf32, #tpu.memory_space<hbm>>)
    %add3A_218 = arith.constant 512 : i32
    %add3A_219 = arith.addi %mul3A_2, %add3A_218 : i32
    %run_scoped3A_220 = arith.constant 0 : i32
    "tpu.region"() ({
      %run_scoped3A_535 = tpu.sem_alloc : memref<!tpu.dma_semaphore, #tpu.memory_space<semaphore_mem>>
      %dma_start3A_536 = arith.constant 0 : i32
      %dma_start3A_537 = tpu.memref_slice %arg5[%run_scoped3A_220, %dma_start3A_536] : memref<2x128xi32, #tpu.memory_space<vmem>> -> memref<1x128xi32, #tpu.memory_space<vmem>>
      %dma_start3A_538 = tpu.memref_squeeze %dma_start3A_537 : memref<1x128xi32, #tpu.memory_space<vmem>> -> memref<128xi32, #tpu.memory_space<vmem>>
      %dma_start3A_539 = tpu.memref_slice %arg3[%add3A_219] : memref<32768xi32, #tpu.memory_space<hbm>> -> memref<128xi32, #tpu.memory_space<hbm>>
      %dma_start3A_540 = arith.constant 0 : i32
      %dma_start3A_541 = tpu.memref_slice %arg5[%run_scoped3A_220, %dma_start3A_540] : memref<2x128xi32, #tpu.memory_space<vmem>> -> memref<1x128xi32, #tpu.memory_space<vmem>>
      %dma_start3A_542 = tpu.memref_squeeze %dma_start3A_541 : memref<1x128xi32, #tpu.memory_space<vmem>> -> memref<128xi32, #tpu.memory_space<vmem>>
      %dma_start3A_543 = tpu.memref_slice %arg3[%add3A_219] : memref<32768xi32, #tpu.memory_space<hbm>> -> memref<128xi32, #tpu.memory_space<hbm>>
      tpu.enqueue_dma source(%dma_start3A_543 : memref<128xi32, #tpu.memory_space<hbm>>) target(%dma_start3A_542 : memref<128xi32, #tpu.memory_space<vmem>>) target_semaphore(%run_scoped3A_535 : memref<!tpu.dma_semaphore, #tpu.memory_space<semaphore_mem>>)
      %dma_wait3A_544 = arith.constant 0 : i32
      %dma_wait3A_545 = tpu.memref_slice %arg5[%run_scoped3A_220, %dma_wait3A_544] : memref<2x128xi32, #tpu.memory_space<vmem>> -> memref<1x128xi32, #tpu.memory_space<vmem>>
      %dma_wait3A_546 = tpu.memref_squeeze %dma_wait3A_545 : memref<1x128xi32, #tpu.memory_space<vmem>> -> memref<128xi32, #tpu.memory_space<vmem>>
      %dma_wait3A_547 = tpu.memref_slice %arg3[%add3A_219] : memref<32768xi32, #tpu.memory_space<hbm>> -> memref<128xi32, #tpu.memory_space<hbm>>
      %dma_wait3A_548 = arith.constant 0 : i32
      %dma_wait3A_549 = tpu.memref_slice %arg5[%run_scoped3A_220, %dma_wait3A_548] : memref<2x128xi32, #tpu.memory_space<vmem>> -> memref<1x128xi32, #tpu.memory_space<vmem>>
      %dma_wait3A_550 = tpu.memref_squeeze %dma_wait3A_549 : memref<1x128xi32, #tpu.memory_space<vmem>> -> memref<128xi32, #tpu.memory_space<vmem>>
      %dma_wait3A_551 = tpu.memref_slice %arg3[%add3A_219] : memref<32768xi32, #tpu.memory_space<hbm>> -> memref<128xi32, #tpu.memory_space<hbm>>
      tpu.wait_dma2 semaphore(%run_scoped3A_535 : memref<!tpu.dma_semaphore, #tpu.memory_space<semaphore_mem>>) src(%dma_wait3A_551 : memref<128xi32, #tpu.memory_space<hbm>>) dst(%dma_wait3A_550 : memref<128xi32, #tpu.memory_space<vmem>>)
      tpu.yield
    }) : () -> ()
    %dma_start3A_221 = arith.constant 0 : i32
    %dma_start3A_222 = arith.constant 0 : i32
    %dma_start3A_223 = arith.constant 0 : i32
    %dma_start3A_224 = arith.constant 0 : i32
    %dma_start3A_225 = arith.constant 0 : i32
    %dma_start3A_226 = tpu.memref_slice %arg6[%dma_start3A_222, %dma_start3A_224, %dma_start3A_225] : memref<2x128x256xf32, #tpu.memory_space<vmem>> -> memref<1x128x256xf32, #tpu.memory_space<vmem>>
    %dma_start3A_227 = tpu.memref_squeeze %dma_start3A_226 : memref<1x128x256xf32, #tpu.memory_space<vmem>> -> memref<128x256xf32, #tpu.memory_space<vmem>>
    %dma_start3A_228 = arith.constant 0 : i32
    %dma_start3A_229 = tpu.memref_slice %arg5[%dma_start3A_221, %dma_start3A_228] : memref<2x128xi32, #tpu.memory_space<vmem>> -> memref<1x128xi32, #tpu.memory_space<vmem>>
    %dma_start3A_230 = tpu.memref_squeeze %dma_start3A_229 : memref<1x128xi32, #tpu.memory_space<vmem>> -> memref<128xi32, #tpu.memory_space<vmem>>
    %dma_start3A_231 = arith.constant 0 : i32
    %dma_start3A_232 = arith.constant 0 : i32
    %dma_start3A_233 = tpu.memref_slice %arg2[%dma_start3A_231, %dma_start3A_232] : memref<1024x256xf32, #tpu.memory_space<hbm>> -> memref<1024x256xf32, #tpu.memory_space<hbm>>
    %dma_start3A_234 = tpu.memref_slice %arg7[%dma_start3A_223] : memref<2x!tpu.dma_semaphore, #tpu.memory_space<semaphore_mem>> -> memref<1x!tpu.dma_semaphore, #tpu.memory_space<semaphore_mem>>
    %dma_start3A_235 = tpu.memref_squeeze %dma_start3A_234 : memref<1x!tpu.dma_semaphore, #tpu.memory_space<semaphore_mem>> -> memref<!tpu.dma_semaphore, #tpu.memory_space<semaphore_mem>>
    tpu.enqueue_indirect_dma source(%dma_start3A_233 : memref<1024x256xf32, #tpu.memory_space<hbm>>) target(%dma_start3A_227 : memref<128x256xf32, #tpu.memory_space<vmem>>) offsets(%dma_start3A_230 : memref<128xi32, #tpu.memory_space<vmem>>) semaphore(%dma_start3A_235 : memref<!tpu.dma_semaphore, #tpu.memory_space<semaphore_mem>>)
    %dma_wait3A_236 = arith.constant 1 : i32
    %dma_wait3A_237 = arith.constant 1 : i32
    %dma_wait3A_238 = arith.constant 1 : i32
    %dma_wait3A_239 = arith.constant 0 : i32
    %dma_wait3A_240 = arith.constant 0 : i32
    %dma_wait3A_241 = tpu.memref_slice %arg6[%dma_wait3A_237, %dma_wait3A_239, %dma_wait3A_240] : memref<2x128x256xf32, #tpu.memory_space<vmem>> -> memref<1x128x256xf32, #tpu.memory_space<vmem>>
    %dma_wait3A_242 = tpu.memref_squeeze %dma_wait3A_241 : memref<1x128x256xf32, #tpu.memory_space<vmem>> -> memref<128x256xf32, #tpu.memory_space<vmem>>
    %dma_wait3A_243 = arith.constant 0 : i32
    %dma_wait3A_244 = tpu.memref_slice %arg5[%dma_wait3A_236, %dma_wait3A_243] : memref<2x128xi32, #tpu.memory_space<vmem>> -> memref<1x128xi32, #tpu.memory_space<vmem>>
    %dma_wait3A_245 = tpu.memref_squeeze %dma_wait3A_244 : memref<1x128xi32, #tpu.memory_space<vmem>> -> memref<128xi32, #tpu.memory_space<vmem>>
    %dma_wait3A_246 = arith.constant 0 : i32
    %dma_wait3A_247 = arith.constant 0 : i32
    %dma_wait3A_248 = tpu.memref_slice %arg2[%dma_wait3A_246, %dma_wait3A_247] : memref<1024x256xf32, #tpu.memory_space<hbm>> -> memref<1024x256xf32, #tpu.memory_space<hbm>>
    %dma_wait3A_249 = tpu.memref_slice %arg7[%dma_wait3A_238] : memref<2x!tpu.dma_semaphore, #tpu.memory_space<semaphore_mem>> -> memref<1x!tpu.dma_semaphore, #tpu.memory_space<semaphore_mem>>
    %dma_wait3A_250 = tpu.memref_squeeze %dma_wait3A_249 : memref<1x!tpu.dma_semaphore, #tpu.memory_space<semaphore_mem>> -> memref<!tpu.dma_semaphore, #tpu.memory_space<semaphore_mem>>
    tpu.wait_indirect_dma semaphore(%dma_wait3A_250 : memref<!tpu.dma_semaphore, #tpu.memory_space<semaphore_mem>>) src(%dma_wait3A_248 : memref<1024x256xf32, #tpu.memory_space<hbm>>) dst(%dma_wait3A_242 : memref<128x256xf32, #tpu.memory_space<vmem>>)
    %sub3A_251 = arith.constant 128 : i32
    %sub3A_252 = arith.subi %add3A_219, %sub3A_251 : i32
    %dma_start3A_253 = arith.constant 1 : i32
    %dma_start3A_254 = arith.constant 1 : i32
    %dma_start3A_255 = arith.constant 0 : i32
    %dma_start3A_256 = arith.constant 0 : i32
    %dma_start3A_257 = tpu.memref_slice %arg6[%dma_start3A_253, %dma_start3A_255, %dma_start3A_256] : memref<2x128x256xf32, #tpu.memory_space<vmem>> -> memref<1x128x256xf32, #tpu.memory_space<vmem>>
    %dma_start3A_258 = tpu.memref_squeeze %dma_start3A_257 : memref<1x128x256xf32, #tpu.memory_space<vmem>> -> memref<128x256xf32, #tpu.memory_space<vmem>>
    %dma_start3A_259 = arith.constant 0 : i32
    %dma_start3A_260 = tpu.memref_slice %arg4[%sub3A_252, %dma_start3A_259] : memref<32768x256xf32, #tpu.memory_space<hbm>> -> memref<128x256xf32, #tpu.memory_space<hbm>>
    %dma_start3A_261 = tpu.memref_slice %arg8[%dma_start3A_254] : memref<2x!tpu.dma_semaphore, #tpu.memory_space<semaphore_mem>> -> memref<1x!tpu.dma_semaphore, #tpu.memory_space<semaphore_mem>>
    %dma_start3A_262 = tpu.memref_squeeze %dma_start3A_261 : memref<1x!tpu.dma_semaphore, #tpu.memory_space<semaphore_mem>> -> memref<!tpu.dma_semaphore, #tpu.memory_space<semaphore_mem>>
    %dma_start3A_263 = arith.constant 0 : i32
    %dma_start3A_264 = tpu.memref_slice %arg4[%sub3A_252, %dma_start3A_263] : memref<32768x256xf32, #tpu.memory_space<hbm>> -> memref<128x256xf32, #tpu.memory_space<hbm>>
    %dma_start3A_265 = arith.constant 0 : i32
    %dma_start3A_266 = arith.constant 0 : i32
    %dma_start3A_267 = tpu.memref_slice %arg6[%dma_start3A_253, %dma_start3A_265, %dma_start3A_266] : memref<2x128x256xf32, #tpu.memory_space<vmem>> -> memref<1x128x256xf32, #tpu.memory_space<vmem>>
    %dma_start3A_268 = tpu.memref_squeeze %dma_start3A_267 : memref<1x128x256xf32, #tpu.memory_space<vmem>> -> memref<128x256xf32, #tpu.memory_space<vmem>>
    tpu.enqueue_dma source(%dma_start3A_268 : memref<128x256xf32, #tpu.memory_space<vmem>>) target(%dma_start3A_264 : memref<128x256xf32, #tpu.memory_space<hbm>>) target_semaphore(%dma_start3A_262 : memref<!tpu.dma_semaphore, #tpu.memory_space<semaphore_mem>>)
    %dma_wait3A_269 = arith.constant 1 : i32
    %dma_wait3A_270 = arith.constant 1 : i32
    %dma_wait3A_271 = arith.constant 0 : i32
    %dma_wait3A_272 = arith.constant 0 : i32
    %dma_wait3A_273 = tpu.memref_slice %arg6[%dma_wait3A_269, %dma_wait3A_271, %dma_wait3A_272] : memref<2x128x256xf32, #tpu.memory_space<vmem>> -> memref<1x128x256xf32, #tpu.memory_space<vmem>>
    %dma_wait3A_274 = tpu.memref_squeeze %dma_wait3A_273 : memref<1x128x256xf32, #tpu.memory_space<vmem>> -> memref<128x256xf32, #tpu.memory_space<vmem>>
    %dma_wait3A_275 = arith.constant 0 : i32
    %dma_wait3A_276 = tpu.memref_slice %arg4[%sub3A_252, %dma_wait3A_275] : memref<32768x256xf32, #tpu.memory_space<hbm>> -> memref<128x256xf32, #tpu.memory_space<hbm>>
    %dma_wait3A_277 = tpu.memref_slice %arg8[%dma_wait3A_270] : memref<2x!tpu.dma_semaphore, #tpu.memory_space<semaphore_mem>> -> memref<1x!tpu.dma_semaphore, #tpu.memory_space<semaphore_mem>>
    %dma_wait3A_278 = tpu.memref_squeeze %dma_wait3A_277 : memref<1x!tpu.dma_semaphore, #tpu.memory_space<semaphore_mem>> -> memref<!tpu.dma_semaphore, #tpu.memory_space<semaphore_mem>>
    %dma_wait3A_279 = arith.constant 0 : i32
    %dma_wait3A_280 = tpu.memref_slice %arg4[%sub3A_252, %dma_wait3A_279] : memref<32768x256xf32, #tpu.memory_space<hbm>> -> memref<128x256xf32, #tpu.memory_space<hbm>>
    %dma_wait3A_281 = arith.constant 0 : i32
    %dma_wait3A_282 = arith.constant 0 : i32
    %dma_wait3A_283 = tpu.memref_slice %arg6[%dma_wait3A_269, %dma_wait3A_281, %dma_wait3A_282] : memref<2x128x256xf32, #tpu.memory_space<vmem>> -> memref<1x128x256xf32, #tpu.memory_space<vmem>>
    %dma_wait3A_284 = tpu.memref_squeeze %dma_wait3A_283 : memref<1x128x256xf32, #tpu.memory_space<vmem>> -> memref<128x256xf32, #tpu.memory_space<vmem>>
    tpu.wait_dma2 semaphore(%dma_wait3A_278 : memref<!tpu.dma_semaphore, #tpu.memory_space<semaphore_mem>>) src(%dma_wait3A_284 : memref<128x256xf32, #tpu.memory_space<vmem>>) dst(%dma_wait3A_280 : memref<128x256xf32, #tpu.memory_space<hbm>>)
    %add3A_285 = arith.constant 640 : i32
    %add3A_286 = arith.addi %mul3A_2, %add3A_285 : i32
    %run_scoped3A_287 = arith.constant 1 : i32
    "tpu.region"() ({
      %run_scoped3A_535 = tpu.sem_alloc : memref<!tpu.dma_semaphore, #tpu.memory_space<semaphore_mem>>
      %dma_start3A_536 = arith.constant 0 : i32
      %dma_start3A_537 = tpu.memref_slice %arg5[%run_scoped3A_287, %dma_start3A_536] : memref<2x128xi32, #tpu.memory_space<vmem>> -> memref<1x128xi32, #tpu.memory_space<vmem>>
      %dma_start3A_538 = tpu.memref_squeeze %dma_start3A_537 : memref<1x128xi32, #tpu.memory_space<vmem>> -> memref<128xi32, #tpu.memory_space<vmem>>
      %dma_start3A_539 = tpu.memref_slice %arg3[%add3A_286] : memref<32768xi32, #tpu.memory_space<hbm>> -> memref<128xi32, #tpu.memory_space<hbm>>
      %dma_start3A_540 = arith.constant 0 : i32
      %dma_start3A_541 = tpu.memref_slice %arg5[%run_scoped3A_287, %dma_start3A_540] : memref<2x128xi32, #tpu.memory_space<vmem>> -> memref<1x128xi32, #tpu.memory_space<vmem>>
      %dma_start3A_542 = tpu.memref_squeeze %dma_start3A_541 : memref<1x128xi32, #tpu.memory_space<vmem>> -> memref<128xi32, #tpu.memory_space<vmem>>
      %dma_start3A_543 = tpu.memref_slice %arg3[%add3A_286] : memref<32768xi32, #tpu.memory_space<hbm>> -> memref<128xi32, #tpu.memory_space<hbm>>
      tpu.enqueue_dma source(%dma_start3A_543 : memref<128xi32, #tpu.memory_space<hbm>>) target(%dma_start3A_542 : memref<128xi32, #tpu.memory_space<vmem>>) target_semaphore(%run_scoped3A_535 : memref<!tpu.dma_semaphore, #tpu.memory_space<semaphore_mem>>)
      %dma_wait3A_544 = arith.constant 0 : i32
      %dma_wait3A_545 = tpu.memref_slice %arg5[%run_scoped3A_287, %dma_wait3A_544] : memref<2x128xi32, #tpu.memory_space<vmem>> -> memref<1x128xi32, #tpu.memory_space<vmem>>
      %dma_wait3A_546 = tpu.memref_squeeze %dma_wait3A_545 : memref<1x128xi32, #tpu.memory_space<vmem>> -> memref<128xi32, #tpu.memory_space<vmem>>
      %dma_wait3A_547 = tpu.memref_slice %arg3[%add3A_286] : memref<32768xi32, #tpu.memory_space<hbm>> -> memref<128xi32, #tpu.memory_space<hbm>>
      %dma_wait3A_548 = arith.constant 0 : i32
      %dma_wait3A_549 = tpu.memref_slice %arg5[%run_scoped3A_287, %dma_wait3A_548] : memref<2x128xi32, #tpu.memory_space<vmem>> -> memref<1x128xi32, #tpu.memory_space<vmem>>
      %dma_wait3A_550 = tpu.memref_squeeze %dma_wait3A_549 : memref<1x128xi32, #tpu.memory_space<vmem>> -> memref<128xi32, #tpu.memory_space<vmem>>
      %dma_wait3A_551 = tpu.memref_slice %arg3[%add3A_286] : memref<32768xi32, #tpu.memory_space<hbm>> -> memref<128xi32, #tpu.memory_space<hbm>>
      tpu.wait_dma2 semaphore(%run_scoped3A_535 : memref<!tpu.dma_semaphore, #tpu.memory_space<semaphore_mem>>) src(%dma_wait3A_551 : memref<128xi32, #tpu.memory_space<hbm>>) dst(%dma_wait3A_550 : memref<128xi32, #tpu.memory_space<vmem>>)
      tpu.yield
    }) : () -> ()
    %dma_start3A_288 = arith.constant 1 : i32
    %dma_start3A_289 = arith.constant 1 : i32
    %dma_start3A_290 = arith.constant 1 : i32
    %dma_start3A_291 = arith.constant 0 : i32
    %dma_start3A_292 = arith.constant 0 : i32
    %dma_start3A_293 = tpu.memref_slice %arg6[%dma_start3A_289, %dma_start3A_291, %dma_start3A_292] : memref<2x128x256xf32, #tpu.memory_space<vmem>> -> memref<1x128x256xf32, #tpu.memory_space<vmem>>
    %dma_start3A_294 = tpu.memref_squeeze %dma_start3A_293 : memref<1x128x256xf32, #tpu.memory_space<vmem>> -> memref<128x256xf32, #tpu.memory_space<vmem>>
    %dma_start3A_295 = arith.constant 0 : i32
    %dma_start3A_296 = tpu.memref_slice %arg5[%dma_start3A_288, %dma_start3A_295] : memref<2x128xi32, #tpu.memory_space<vmem>> -> memref<1x128xi32, #tpu.memory_space<vmem>>
    %dma_start3A_297 = tpu.memref_squeeze %dma_start3A_296 : memref<1x128xi32, #tpu.memory_space<vmem>> -> memref<128xi32, #tpu.memory_space<vmem>>
    %dma_start3A_298 = arith.constant 0 : i32
    %dma_start3A_299 = arith.constant 0 : i32
    %dma_start3A_300 = tpu.memref_slice %arg2[%dma_start3A_298, %dma_start3A_299] : memref<1024x256xf32, #tpu.memory_space<hbm>> -> memref<1024x256xf32, #tpu.memory_space<hbm>>
    %dma_start3A_301 = tpu.memref_slice %arg7[%dma_start3A_290] : memref<2x!tpu.dma_semaphore, #tpu.memory_space<semaphore_mem>> -> memref<1x!tpu.dma_semaphore, #tpu.memory_space<semaphore_mem>>
    %dma_start3A_302 = tpu.memref_squeeze %dma_start3A_301 : memref<1x!tpu.dma_semaphore, #tpu.memory_space<semaphore_mem>> -> memref<!tpu.dma_semaphore, #tpu.memory_space<semaphore_mem>>
    tpu.enqueue_indirect_dma source(%dma_start3A_300 : memref<1024x256xf32, #tpu.memory_space<hbm>>) target(%dma_start3A_294 : memref<128x256xf32, #tpu.memory_space<vmem>>) offsets(%dma_start3A_297 : memref<128xi32, #tpu.memory_space<vmem>>) semaphore(%dma_start3A_302 : memref<!tpu.dma_semaphore, #tpu.memory_space<semaphore_mem>>)
    %dma_wait3A_303 = arith.constant 0 : i32
    %dma_wait3A_304 = arith.constant 0 : i32
    %dma_wait3A_305 = arith.constant 0 : i32
    %dma_wait3A_306 = arith.constant 0 : i32
    %dma_wait3A_307 = arith.constant 0 : i32
    %dma_wait3A_308 = tpu.memref_slice %arg6[%dma_wait3A_304, %dma_wait3A_306, %dma_wait3A_307] : memref<2x128x256xf32, #tpu.memory_space<vmem>> -> memref<1x128x256xf32, #tpu.memory_space<vmem>>
    %dma_wait3A_309 = tpu.memref_squeeze %dma_wait3A_308 : memref<1x128x256xf32, #tpu.memory_space<vmem>> -> memref<128x256xf32, #tpu.memory_space<vmem>>
    %dma_wait3A_310 = arith.constant 0 : i32
    %dma_wait3A_311 = tpu.memref_slice %arg5[%dma_wait3A_303, %dma_wait3A_310] : memref<2x128xi32, #tpu.memory_space<vmem>> -> memref<1x128xi32, #tpu.memory_space<vmem>>
    %dma_wait3A_312 = tpu.memref_squeeze %dma_wait3A_311 : memref<1x128xi32, #tpu.memory_space<vmem>> -> memref<128xi32, #tpu.memory_space<vmem>>
    %dma_wait3A_313 = arith.constant 0 : i32
    %dma_wait3A_314 = arith.constant 0 : i32
    %dma_wait3A_315 = tpu.memref_slice %arg2[%dma_wait3A_313, %dma_wait3A_314] : memref<1024x256xf32, #tpu.memory_space<hbm>> -> memref<1024x256xf32, #tpu.memory_space<hbm>>
    %dma_wait3A_316 = tpu.memref_slice %arg7[%dma_wait3A_305] : memref<2x!tpu.dma_semaphore, #tpu.memory_space<semaphore_mem>> -> memref<1x!tpu.dma_semaphore, #tpu.memory_space<semaphore_mem>>
    %dma_wait3A_317 = tpu.memref_squeeze %dma_wait3A_316 : memref<1x!tpu.dma_semaphore, #tpu.memory_space<semaphore_mem>> -> memref<!tpu.dma_semaphore, #tpu.memory_space<semaphore_mem>>
    tpu.wait_indirect_dma semaphore(%dma_wait3A_317 : memref<!tpu.dma_semaphore, #tpu.memory_space<semaphore_mem>>) src(%dma_wait3A_315 : memref<1024x256xf32, #tpu.memory_space<hbm>>) dst(%dma_wait3A_309 : memref<128x256xf32, #tpu.memory_space<vmem>>)
    %sub3A_318 = arith.constant 128 : i32
    %sub3A_319 = arith.subi %add3A_286, %sub3A_318 : i32
    %dma_start3A_320 = arith.constant 0 : i32
    %dma_start3A_321 = arith.constant 0 : i32
    %dma_start3A_322 = arith.constant 0 : i32
    %dma_start3A_323 = arith.constant 0 : i32
    %dma_start3A_324 = tpu.memref_slice %arg6[%dma_start3A_320, %dma_start3A_322, %dma_start3A_323] : memref<2x128x256xf32, #tpu.memory_space<vmem>> -> memref<1x128x256xf32, #tpu.memory_space<vmem>>
    %dma_start3A_325 = tpu.memref_squeeze %dma_start3A_324 : memref<1x128x256xf32, #tpu.memory_space<vmem>> -> memref<128x256xf32, #tpu.memory_space<vmem>>
    %dma_start3A_326 = arith.constant 0 : i32
    %dma_start3A_327 = tpu.memref_slice %arg4[%sub3A_319, %dma_start3A_326] : memref<32768x256xf32, #tpu.memory_space<hbm>> -> memref<128x256xf32, #tpu.memory_space<hbm>>
    %dma_start3A_328 = tpu.memref_slice %arg8[%dma_start3A_321] : memref<2x!tpu.dma_semaphore, #tpu.memory_space<semaphore_mem>> -> memref<1x!tpu.dma_semaphore, #tpu.memory_space<semaphore_mem>>
    %dma_start3A_329 = tpu.memref_squeeze %dma_start3A_328 : memref<1x!tpu.dma_semaphore, #tpu.memory_space<semaphore_mem>> -> memref<!tpu.dma_semaphore, #tpu.memory_space<semaphore_mem>>
    %dma_start3A_330 = arith.constant 0 : i32
    %dma_start3A_331 = tpu.memref_slice %arg4[%sub3A_319, %dma_start3A_330] : memref<32768x256xf32, #tpu.memory_space<hbm>> -> memref<128x256xf32, #tpu.memory_space<hbm>>
    %dma_start3A_332 = arith.constant 0 : i32
    %dma_start3A_333 = arith.constant 0 : i32
    %dma_start3A_334 = tpu.memref_slice %arg6[%dma_start3A_320, %dma_start3A_332, %dma_start3A_333] : memref<2x128x256xf32, #tpu.memory_space<vmem>> -> memref<1x128x256xf32, #tpu.memory_space<vmem>>
    %dma_start3A_335 = tpu.memref_squeeze %dma_start3A_334 : memref<1x128x256xf32, #tpu.memory_space<vmem>> -> memref<128x256xf32, #tpu.memory_space<vmem>>
    tpu.enqueue_dma source(%dma_start3A_335 : memref<128x256xf32, #tpu.memory_space<vmem>>) target(%dma_start3A_331 : memref<128x256xf32, #tpu.memory_space<hbm>>) target_semaphore(%dma_start3A_329 : memref<!tpu.dma_semaphore, #tpu.memory_space<semaphore_mem>>)
    %dma_wait3A_336 = arith.constant 0 : i32
    %dma_wait3A_337 = arith.constant 0 : i32
    %dma_wait3A_338 = arith.constant 0 : i32
    %dma_wait3A_339 = arith.constant 0 : i32
    %dma_wait3A_340 = tpu.memref_slice %arg6[%dma_wait3A_336, %dma_wait3A_338, %dma_wait3A_339] : memref<2x128x256xf32, #tpu.memory_space<vmem>> -> memref<1x128x256xf32, #tpu.memory_space<vmem>>
    %dma_wait3A_341 = tpu.memref_squeeze %dma_wait3A_340 : memref<1x128x256xf32, #tpu.memory_space<vmem>> -> memref<128x256xf32, #tpu.memory_space<vmem>>
    %dma_wait3A_342 = arith.constant 0 : i32
    %dma_wait3A_343 = tpu.memref_slice %arg4[%sub3A_319, %dma_wait3A_342] : memref<32768x256xf32, #tpu.memory_space<hbm>> -> memref<128x256xf32, #tpu.memory_space<hbm>>
    %dma_wait3A_344 = tpu.memref_slice %arg8[%dma_wait3A_337] : memref<2x!tpu.dma_semaphore, #tpu.memory_space<semaphore_mem>> -> memref<1x!tpu.dma_semaphore, #tpu.memory_space<semaphore_mem>>
    %dma_wait3A_345 = tpu.memref_squeeze %dma_wait3A_344 : memref<1x!tpu.dma_semaphore, #tpu.memory_space<semaphore_mem>> -> memref<!tpu.dma_semaphore, #tpu.memory_space<semaphore_mem>>
    %dma_wait3A_346 = arith.constant 0 : i32
    %dma_wait3A_347 = tpu.memref_slice %arg4[%sub3A_319, %dma_wait3A_346] : memref<32768x256xf32, #tpu.memory_space<hbm>> -> memref<128x256xf32, #tpu.memory_space<hbm>>
    %dma_wait3A_348 = arith.constant 0 : i32
    %dma_wait3A_349 = arith.constant 0 : i32
    %dma_wait3A_350 = tpu.memref_slice %arg6[%dma_wait3A_336, %dma_wait3A_348, %dma_wait3A_349] : memref<2x128x256xf32, #tpu.memory_space<vmem>> -> memref<1x128x256xf32, #tpu.memory_space<vmem>>
    %dma_wait3A_351 = tpu.memref_squeeze %dma_wait3A_350 : memref<1x128x256xf32, #tpu.memory_space<vmem>> -> memref<128x256xf32, #tpu.memory_space<vmem>>
    tpu.wait_dma2 semaphore(%dma_wait3A_345 : memref<!tpu.dma_semaphore, #tpu.memory_space<semaphore_mem>>) src(%dma_wait3A_351 : memref<128x256xf32, #tpu.memory_space<vmem>>) dst(%dma_wait3A_347 : memref<128x256xf32, #tpu.memory_space<hbm>>)
    %add3A_352 = arith.constant 768 : i32
    %add3A_353 = arith.addi %mul3A_2, %add3A_352 : i32
    %run_scoped3A_354 = arith.constant 0 : i32
    "tpu.region"() ({
      %run_scoped3A_535 = tpu.sem_alloc : memref<!tpu.dma_semaphore, #tpu.memory_space<semaphore_mem>>
      %dma_start3A_536 = arith.constant 0 : i32
      %dma_start3A_537 = tpu.memref_slice %arg5[%run_scoped3A_354, %dma_start3A_536] : memref<2x128xi32, #tpu.memory_space<vmem>> -> memref<1x128xi32, #tpu.memory_space<vmem>>
      %dma_start3A_538 = tpu.memref_squeeze %dma_start3A_537 : memref<1x128xi32, #tpu.memory_space<vmem>> -> memref<128xi32, #tpu.memory_space<vmem>>
      %dma_start3A_539 = tpu.memref_slice %arg3[%add3A_353] : memref<32768xi32, #tpu.memory_space<hbm>> -> memref<128xi32, #tpu.memory_space<hbm>>
      %dma_start3A_540 = arith.constant 0 : i32
      %dma_start3A_541 = tpu.memref_slice %arg5[%run_scoped3A_354, %dma_start3A_540] : memref<2x128xi32, #tpu.memory_space<vmem>> -> memref<1x128xi32, #tpu.memory_space<vmem>>
      %dma_start3A_542 = tpu.memref_squeeze %dma_start3A_541 : memref<1x128xi32, #tpu.memory_space<vmem>> -> memref<128xi32, #tpu.memory_space<vmem>>
      %dma_start3A_543 = tpu.memref_slice %arg3[%add3A_353] : memref<32768xi32, #tpu.memory_space<hbm>> -> memref<128xi32, #tpu.memory_space<hbm>>
      tpu.enqueue_dma source(%dma_start3A_543 : memref<128xi32, #tpu.memory_space<hbm>>) target(%dma_start3A_542 : memref<128xi32, #tpu.memory_space<vmem>>) target_semaphore(%run_scoped3A_535 : memref<!tpu.dma_semaphore, #tpu.memory_space<semaphore_mem>>)
      %dma_wait3A_544 = arith.constant 0 : i32
      %dma_wait3A_545 = tpu.memref_slice %arg5[%run_scoped3A_354, %dma_wait3A_544] : memref<2x128xi32, #tpu.memory_space<vmem>> -> memref<1x128xi32, #tpu.memory_space<vmem>>
      %dma_wait3A_546 = tpu.memref_squeeze %dma_wait3A_545 : memref<1x128xi32, #tpu.memory_space<vmem>> -> memref<128xi32, #tpu.memory_space<vmem>>
      %dma_wait3A_547 = tpu.memref_slice %arg3[%add3A_353] : memref<32768xi32, #tpu.memory_space<hbm>> -> memref<128xi32, #tpu.memory_space<hbm>>
      %dma_wait3A_548 = arith.constant 0 : i32
      %dma_wait3A_549 = tpu.memref_slice %arg5[%run_scoped3A_354, %dma_wait3A_548] : memref<2x128xi32, #tpu.memory_space<vmem>> -> memref<1x128xi32, #tpu.memory_space<vmem>>
      %dma_wait3A_550 = tpu.memref_squeeze %dma_wait3A_549 : memref<1x128xi32, #tpu.memory_space<vmem>> -> memref<128xi32, #tpu.memory_space<vmem>>
      %dma_wait3A_551 = tpu.memref_slice %arg3[%add3A_353] : memref<32768xi32, #tpu.memory_space<hbm>> -> memref<128xi32, #tpu.memory_space<hbm>>
      tpu.wait_dma2 semaphore(%run_scoped3A_535 : memref<!tpu.dma_semaphore, #tpu.memory_space<semaphore_mem>>) src(%dma_wait3A_551 : memref<128xi32, #tpu.memory_space<hbm>>) dst(%dma_wait3A_550 : memref<128xi32, #tpu.memory_space<vmem>>)
      tpu.yield
    }) : () -> ()
    %dma_start3A_355 = arith.constant 0 : i32
    %dma_start3A_356 = arith.constant 0 : i32
    %dma_start3A_357 = arith.constant 0 : i32
    %dma_start3A_358 = arith.constant 0 : i32
    %dma_start3A_359 = arith.constant 0 : i32
    %dma_start3A_360 = tpu.memref_slice %arg6[%dma_start3A_356, %dma_start3A_358, %dma_start3A_359] : memref<2x128x256xf32, #tpu.memory_space<vmem>> -> memref<1x128x256xf32, #tpu.memory_space<vmem>>
    %dma_start3A_361 = tpu.memref_squeeze %dma_start3A_360 : memref<1x128x256xf32, #tpu.memory_space<vmem>> -> memref<128x256xf32, #tpu.memory_space<vmem>>
    %dma_start3A_362 = arith.constant 0 : i32
    %dma_start3A_363 = tpu.memref_slice %arg5[%dma_start3A_355, %dma_start3A_362] : memref<2x128xi32, #tpu.memory_space<vmem>> -> memref<1x128xi32, #tpu.memory_space<vmem>>
    %dma_start3A_364 = tpu.memref_squeeze %dma_start3A_363 : memref<1x128xi32, #tpu.memory_space<vmem>> -> memref<128xi32, #tpu.memory_space<vmem>>
    %dma_start3A_365 = arith.constant 0 : i32
    %dma_start3A_366 = arith.constant 0 : i32
    %dma_start3A_367 = tpu.memref_slice %arg2[%dma_start3A_365, %dma_start3A_366] : memref<1024x256xf32, #tpu.memory_space<hbm>> -> memref<1024x256xf32, #tpu.memory_space<hbm>>
    %dma_start3A_368 = tpu.memref_slice %arg7[%dma_start3A_357] : memref<2x!tpu.dma_semaphore, #tpu.memory_space<semaphore_mem>> -> memref<1x!tpu.dma_semaphore, #tpu.memory_space<semaphore_mem>>
    %dma_start3A_369 = tpu.memref_squeeze %dma_start3A_368 : memref<1x!tpu.dma_semaphore, #tpu.memory_space<semaphore_mem>> -> memref<!tpu.dma_semaphore, #tpu.memory_space<semaphore_mem>>
    tpu.enqueue_indirect_dma source(%dma_start3A_367 : memref<1024x256xf32, #tpu.memory_space<hbm>>) target(%dma_start3A_361 : memref<128x256xf32, #tpu.memory_space<vmem>>) offsets(%dma_start3A_364 : memref<128xi32, #tpu.memory_space<vmem>>) semaphore(%dma_start3A_369 : memref<!tpu.dma_semaphore, #tpu.memory_space<semaphore_mem>>)
    %dma_wait3A_370 = arith.constant 1 : i32
    %dma_wait3A_371 = arith.constant 1 : i32
    %dma_wait3A_372 = arith.constant 1 : i32
    %dma_wait3A_373 = arith.constant 0 : i32
    %dma_wait3A_374 = arith.constant 0 : i32
    %dma_wait3A_375 = tpu.memref_slice %arg6[%dma_wait3A_371, %dma_wait3A_373, %dma_wait3A_374] : memref<2x128x256xf32, #tpu.memory_space<vmem>> -> memref<1x128x256xf32, #tpu.memory_space<vmem>>
    %dma_wait3A_376 = tpu.memref_squeeze %dma_wait3A_375 : memref<1x128x256xf32, #tpu.memory_space<vmem>> -> memref<128x256xf32, #tpu.memory_space<vmem>>
    %dma_wait3A_377 = arith.constant 0 : i32
    %dma_wait3A_378 = tpu.memref_slice %arg5[%dma_wait3A_370, %dma_wait3A_377] : memref<2x128xi32, #tpu.memory_space<vmem>> -> memref<1x128xi32, #tpu.memory_space<vmem>>
    %dma_wait3A_379 = tpu.memref_squeeze %dma_wait3A_378 : memref<1x128xi32, #tpu.memory_space<vmem>> -> memref<128xi32, #tpu.memory_space<vmem>>
    %dma_wait3A_380 = arith.constant 0 : i32
    %dma_wait3A_381 = arith.constant 0 : i32
    %dma_wait3A_382 = tpu.memref_slice %arg2[%dma_wait3A_380, %dma_wait3A_381] : memref<1024x256xf32, #tpu.memory_space<hbm>> -> memref<1024x256xf32, #tpu.memory_space<hbm>>
    %dma_wait3A_383 = tpu.memref_slice %arg7[%dma_wait3A_372] : memref<2x!tpu.dma_semaphore, #tpu.memory_space<semaphore_mem>> -> memref<1x!tpu.dma_semaphore, #tpu.memory_space<semaphore_mem>>
    %dma_wait3A_384 = tpu.memref_squeeze %dma_wait3A_383 : memref<1x!tpu.dma_semaphore, #tpu.memory_space<semaphore_mem>> -> memref<!tpu.dma_semaphore, #tpu.memory_space<semaphore_mem>>
    tpu.wait_indirect_dma semaphore(%dma_wait3A_384 : memref<!tpu.dma_semaphore, #tpu.memory_space<semaphore_mem>>) src(%dma_wait3A_382 : memref<1024x256xf32, #tpu.memory_space<hbm>>) dst(%dma_wait3A_376 : memref<128x256xf32, #tpu.memory_space<vmem>>)
    %sub3A_385 = arith.constant 128 : i32
    %sub3A_386 = arith.subi %add3A_353, %sub3A_385 : i32
    %dma_start3A_387 = arith.constant 1 : i32
    %dma_start3A_388 = arith.constant 1 : i32
    %dma_start3A_389 = arith.constant 0 : i32
    %dma_start3A_390 = arith.constant 0 : i32
    %dma_start3A_391 = tpu.memref_slice %arg6[%dma_start3A_387, %dma_start3A_389, %dma_start3A_390] : memref<2x128x256xf32, #tpu.memory_space<vmem>> -> memref<1x128x256xf32, #tpu.memory_space<vmem>>
    %dma_start3A_392 = tpu.memref_squeeze %dma_start3A_391 : memref<1x128x256xf32, #tpu.memory_space<vmem>> -> memref<128x256xf32, #tpu.memory_space<vmem>>
    %dma_start3A_393 = arith.constant 0 : i32
    %dma_start3A_394 = tpu.memref_slice %arg4[%sub3A_386, %dma_start3A_393] : memref<32768x256xf32, #tpu.memory_space<hbm>> -> memref<128x256xf32, #tpu.memory_space<hbm>>
    %dma_start3A_395 = tpu.memref_slice %arg8[%dma_start3A_388] : memref<2x!tpu.dma_semaphore, #tpu.memory_space<semaphore_mem>> -> memref<1x!tpu.dma_semaphore, #tpu.memory_space<semaphore_mem>>
    %dma_start3A_396 = tpu.memref_squeeze %dma_start3A_395 : memref<1x!tpu.dma_semaphore, #tpu.memory_space<semaphore_mem>> -> memref<!tpu.dma_semaphore, #tpu.memory_space<semaphore_mem>>
    %dma_start3A_397 = arith.constant 0 : i32
    %dma_start3A_398 = tpu.memref_slice %arg4[%sub3A_386, %dma_start3A_397] : memref<32768x256xf32, #tpu.memory_space<hbm>> -> memref<128x256xf32, #tpu.memory_space<hbm>>
    %dma_start3A_399 = arith.constant 0 : i32
    %dma_start3A_400 = arith.constant 0 : i32
    %dma_start3A_401 = tpu.memref_slice %arg6[%dma_start3A_387, %dma_start3A_399, %dma_start3A_400] : memref<2x128x256xf32, #tpu.memory_space<vmem>> -> memref<1x128x256xf32, #tpu.memory_space<vmem>>
    %dma_start3A_402 = tpu.memref_squeeze %dma_start3A_401 : memref<1x128x256xf32, #tpu.memory_space<vmem>> -> memref<128x256xf32, #tpu.memory_space<vmem>>
    tpu.enqueue_dma source(%dma_start3A_402 : memref<128x256xf32, #tpu.memory_space<vmem>>) target(%dma_start3A_398 : memref<128x256xf32, #tpu.memory_space<hbm>>) target_semaphore(%dma_start3A_396 : memref<!tpu.dma_semaphore, #tpu.memory_space<semaphore_mem>>)
    %dma_wait3A_403 = arith.constant 1 : i32
    %dma_wait3A_404 = arith.constant 1 : i32
    %dma_wait3A_405 = arith.constant 0 : i32
    %dma_wait3A_406 = arith.constant 0 : i32
    %dma_wait3A_407 = tpu.memref_slice %arg6[%dma_wait3A_403, %dma_wait3A_405, %dma_wait3A_406] : memref<2x128x256xf32, #tpu.memory_space<vmem>> -> memref<1x128x256xf32, #tpu.memory_space<vmem>>
    %dma_wait3A_408 = tpu.memref_squeeze %dma_wait3A_407 : memref<1x128x256xf32, #tpu.memory_space<vmem>> -> memref<128x256xf32, #tpu.memory_space<vmem>>
    %dma_wait3A_409 = arith.constant 0 : i32
    %dma_wait3A_410 = tpu.memref_slice %arg4[%sub3A_386, %dma_wait3A_409] : memref<32768x256xf32, #tpu.memory_space<hbm>> -> memref<128x256xf32, #tpu.memory_space<hbm>>
    %dma_wait3A_411 = tpu.memref_slice %arg8[%dma_wait3A_404] : memref<2x!tpu.dma_semaphore, #tpu.memory_space<semaphore_mem>> -> memref<1x!tpu.dma_semaphore, #tpu.memory_space<semaphore_mem>>
    %dma_wait3A_412 = tpu.memref_squeeze %dma_wait3A_411 : memref<1x!tpu.dma_semaphore, #tpu.memory_space<semaphore_mem>> -> memref<!tpu.dma_semaphore, #tpu.memory_space<semaphore_mem>>
    %dma_wait3A_413 = arith.constant 0 : i32
    %dma_wait3A_414 = tpu.memref_slice %arg4[%sub3A_386, %dma_wait3A_413] : memref<32768x256xf32, #tpu.memory_space<hbm>> -> memref<128x256xf32, #tpu.memory_space<hbm>>
    %dma_wait3A_415 = arith.constant 0 : i32
    %dma_wait3A_416 = arith.constant 0 : i32
    %dma_wait3A_417 = tpu.memref_slice %arg6[%dma_wait3A_403, %dma_wait3A_415, %dma_wait3A_416] : memref<2x128x256xf32, #tpu.memory_space<vmem>> -> memref<1x128x256xf32, #tpu.memory_space<vmem>>
    %dma_wait3A_418 = tpu.memref_squeeze %dma_wait3A_417 : memref<1x128x256xf32, #tpu.memory_space<vmem>> -> memref<128x256xf32, #tpu.memory_space<vmem>>
    tpu.wait_dma2 semaphore(%dma_wait3A_412 : memref<!tpu.dma_semaphore, #tpu.memory_space<semaphore_mem>>) src(%dma_wait3A_418 : memref<128x256xf32, #tpu.memory_space<vmem>>) dst(%dma_wait3A_414 : memref<128x256xf32, #tpu.memory_space<hbm>>)
    %add3A_419 = arith.constant 896 : i32
    %add3A_420 = arith.addi %mul3A_2, %add3A_419 : i32
    %run_scoped3A_421 = arith.constant 1 : i32
    "tpu.region"() ({
      %run_scoped3A_535 = tpu.sem_alloc : memref<!tpu.dma_semaphore, #tpu.memory_space<semaphore_mem>>
      %dma_start3A_536 = arith.constant 0 : i32
      %dma_start3A_537 = tpu.memref_slice %arg5[%run_scoped3A_421, %dma_start3A_536] : memref<2x128xi32, #tpu.memory_space<vmem>> -> memref<1x128xi32, #tpu.memory_space<vmem>>
      %dma_start3A_538 = tpu.memref_squeeze %dma_start3A_537 : memref<1x128xi32, #tpu.memory_space<vmem>> -> memref<128xi32, #tpu.memory_space<vmem>>
      %dma_start3A_539 = tpu.memref_slice %arg3[%add3A_420] : memref<32768xi32, #tpu.memory_space<hbm>> -> memref<128xi32, #tpu.memory_space<hbm>>
      %dma_start3A_540 = arith.constant 0 : i32
      %dma_start3A_541 = tpu.memref_slice %arg5[%run_scoped3A_421, %dma_start3A_540] : memref<2x128xi32, #tpu.memory_space<vmem>> -> memref<1x128xi32, #tpu.memory_space<vmem>>
      %dma_start3A_542 = tpu.memref_squeeze %dma_start3A_541 : memref<1x128xi32, #tpu.memory_space<vmem>> -> memref<128xi32, #tpu.memory_space<vmem>>
      %dma_start3A_543 = tpu.memref_slice %arg3[%add3A_420] : memref<32768xi32, #tpu.memory_space<hbm>> -> memref<128xi32, #tpu.memory_space<hbm>>
      tpu.enqueue_dma source(%dma_start3A_543 : memref<128xi32, #tpu.memory_space<hbm>>) target(%dma_start3A_542 : memref<128xi32, #tpu.memory_space<vmem>>) target_semaphore(%run_scoped3A_535 : memref<!tpu.dma_semaphore, #tpu.memory_space<semaphore_mem>>)
      %dma_wait3A_544 = arith.constant 0 : i32
      %dma_wait3A_545 = tpu.memref_slice %arg5[%run_scoped3A_421, %dma_wait3A_544] : memref<2x128xi32, #tpu.memory_space<vmem>> -> memref<1x128xi32, #tpu.memory_space<vmem>>
      %dma_wait3A_546 = tpu.memref_squeeze %dma_wait3A_545 : memref<1x128xi32, #tpu.memory_space<vmem>> -> memref<128xi32, #tpu.memory_space<vmem>>
      %dma_wait3A_547 = tpu.memref_slice %arg3[%add3A_420] : memref<32768xi32, #tpu.memory_space<hbm>> -> memref<128xi32, #tpu.memory_space<hbm>>
      %dma_wait3A_548 = arith.constant 0 : i32
      %dma_wait3A_549 = tpu.memref_slice %arg5[%run_scoped3A_421, %dma_wait3A_548] : memref<2x128xi32, #tpu.memory_space<vmem>> -> memref<1x128xi32, #tpu.memory_space<vmem>>
      %dma_wait3A_550 = tpu.memref_squeeze %dma_wait3A_549 : memref<1x128xi32, #tpu.memory_space<vmem>> -> memref<128xi32, #tpu.memory_space<vmem>>
      %dma_wait3A_551 = tpu.memref_slice %arg3[%add3A_420] : memref<32768xi32, #tpu.memory_space<hbm>> -> memref<128xi32, #tpu.memory_space<hbm>>
      tpu.wait_dma2 semaphore(%run_scoped3A_535 : memref<!tpu.dma_semaphore, #tpu.memory_space<semaphore_mem>>) src(%dma_wait3A_551 : memref<128xi32, #tpu.memory_space<hbm>>) dst(%dma_wait3A_550 : memref<128xi32, #tpu.memory_space<vmem>>)
      tpu.yield
    }) : () -> ()
    %dma_start3A_422 = arith.constant 1 : i32
    %dma_start3A_423 = arith.constant 1 : i32
    %dma_start3A_424 = arith.constant 1 : i32
    %dma_start3A_425 = arith.constant 0 : i32
    %dma_start3A_426 = arith.constant 0 : i32
    %dma_start3A_427 = tpu.memref_slice %arg6[%dma_start3A_423, %dma_start3A_425, %dma_start3A_426] : memref<2x128x256xf32, #tpu.memory_space<vmem>> -> memref<1x128x256xf32, #tpu.memory_space<vmem>>
    %dma_start3A_428 = tpu.memref_squeeze %dma_start3A_427 : memref<1x128x256xf32, #tpu.memory_space<vmem>> -> memref<128x256xf32, #tpu.memory_space<vmem>>
    %dma_start3A_429 = arith.constant 0 : i32
    %dma_start3A_430 = tpu.memref_slice %arg5[%dma_start3A_422, %dma_start3A_429] : memref<2x128xi32, #tpu.memory_space<vmem>> -> memref<1x128xi32, #tpu.memory_space<vmem>>
    %dma_start3A_431 = tpu.memref_squeeze %dma_start3A_430 : memref<1x128xi32, #tpu.memory_space<vmem>> -> memref<128xi32, #tpu.memory_space<vmem>>
    %dma_start3A_432 = arith.constant 0 : i32
    %dma_start3A_433 = arith.constant 0 : i32
    %dma_start3A_434 = tpu.memref_slice %arg2[%dma_start3A_432, %dma_start3A_433] : memref<1024x256xf32, #tpu.memory_space<hbm>> -> memref<1024x256xf32, #tpu.memory_space<hbm>>
    %dma_start3A_435 = tpu.memref_slice %arg7[%dma_start3A_424] : memref<2x!tpu.dma_semaphore, #tpu.memory_space<semaphore_mem>> -> memref<1x!tpu.dma_semaphore, #tpu.memory_space<semaphore_mem>>
    %dma_start3A_436 = tpu.memref_squeeze %dma_start3A_435 : memref<1x!tpu.dma_semaphore, #tpu.memory_space<semaphore_mem>> -> memref<!tpu.dma_semaphore, #tpu.memory_space<semaphore_mem>>
    tpu.enqueue_indirect_dma source(%dma_start3A_434 : memref<1024x256xf32, #tpu.memory_space<hbm>>) target(%dma_start3A_428 : memref<128x256xf32, #tpu.memory_space<vmem>>) offsets(%dma_start3A_431 : memref<128xi32, #tpu.memory_space<vmem>>) semaphore(%dma_start3A_436 : memref<!tpu.dma_semaphore, #tpu.memory_space<semaphore_mem>>)
    %dma_wait3A_437 = arith.constant 0 : i32
    %dma_wait3A_438 = arith.constant 0 : i32
    %dma_wait3A_439 = arith.constant 0 : i32
    %dma_wait3A_440 = arith.constant 0 : i32
    %dma_wait3A_441 = arith.constant 0 : i32
    %dma_wait3A_442 = tpu.memref_slice %arg6[%dma_wait3A_438, %dma_wait3A_440, %dma_wait3A_441] : memref<2x128x256xf32, #tpu.memory_space<vmem>> -> memref<1x128x256xf32, #tpu.memory_space<vmem>>
    %dma_wait3A_443 = tpu.memref_squeeze %dma_wait3A_442 : memref<1x128x256xf32, #tpu.memory_space<vmem>> -> memref<128x256xf32, #tpu.memory_space<vmem>>
    %dma_wait3A_444 = arith.constant 0 : i32
    %dma_wait3A_445 = tpu.memref_slice %arg5[%dma_wait3A_437, %dma_wait3A_444] : memref<2x128xi32, #tpu.memory_space<vmem>> -> memref<1x128xi32, #tpu.memory_space<vmem>>
    %dma_wait3A_446 = tpu.memref_squeeze %dma_wait3A_445 : memref<1x128xi32, #tpu.memory_space<vmem>> -> memref<128xi32, #tpu.memory_space<vmem>>
    %dma_wait3A_447 = arith.constant 0 : i32
    %dma_wait3A_448 = arith.constant 0 : i32
    %dma_wait3A_449 = tpu.memref_slice %arg2[%dma_wait3A_447, %dma_wait3A_448] : memref<1024x256xf32, #tpu.memory_space<hbm>> -> memref<1024x256xf32, #tpu.memory_space<hbm>>
    %dma_wait3A_450 = tpu.memref_slice %arg7[%dma_wait3A_439] : memref<2x!tpu.dma_semaphore, #tpu.memory_space<semaphore_mem>> -> memref<1x!tpu.dma_semaphore, #tpu.memory_space<semaphore_mem>>
    %dma_wait3A_451 = tpu.memref_squeeze %dma_wait3A_450 : memref<1x!tpu.dma_semaphore, #tpu.memory_space<semaphore_mem>> -> memref<!tpu.dma_semaphore, #tpu.memory_space<semaphore_mem>>
    tpu.wait_indirect_dma semaphore(%dma_wait3A_451 : memref<!tpu.dma_semaphore, #tpu.memory_space<semaphore_mem>>) src(%dma_wait3A_449 : memref<1024x256xf32, #tpu.memory_space<hbm>>) dst(%dma_wait3A_443 : memref<128x256xf32, #tpu.memory_space<vmem>>)
    %sub3A_452 = arith.constant 128 : i32
    %sub3A_453 = arith.subi %add3A_420, %sub3A_452 : i32
    %dma_start3A_454 = arith.constant 0 : i32
    %dma_start3A_455 = arith.constant 0 : i32
    %dma_start3A_456 = arith.constant 0 : i32
    %dma_start3A_457 = arith.constant 0 : i32
    %dma_start3A_458 = tpu.memref_slice %arg6[%dma_start3A_454, %dma_start3A_456, %dma_start3A_457] : memref<2x128x256xf32, #tpu.memory_space<vmem>> -> memref<1x128x256xf32, #tpu.memory_space<vmem>>
    %dma_start3A_459 = tpu.memref_squeeze %dma_start3A_458 : memref<1x128x256xf32, #tpu.memory_space<vmem>> -> memref<128x256xf32, #tpu.memory_space<vmem>>
    %dma_start3A_460 = arith.constant 0 : i32
    %dma_start3A_461 = tpu.memref_slice %arg4[%sub3A_453, %dma_start3A_460] : memref<32768x256xf32, #tpu.memory_space<hbm>> -> memref<128x256xf32, #tpu.memory_space<hbm>>
    %dma_start3A_462 = tpu.memref_slice %arg8[%dma_start3A_455] : memref<2x!tpu.dma_semaphore, #tpu.memory_space<semaphore_mem>> -> memref<1x!tpu.dma_semaphore, #tpu.memory_space<semaphore_mem>>
    %dma_start3A_463 = tpu.memref_squeeze %dma_start3A_462 : memref<1x!tpu.dma_semaphore, #tpu.memory_space<semaphore_mem>> -> memref<!tpu.dma_semaphore, #tpu.memory_space<semaphore_mem>>
    %dma_start3A_464 = arith.constant 0 : i32
    %dma_start3A_465 = tpu.memref_slice %arg4[%sub3A_453, %dma_start3A_464] : memref<32768x256xf32, #tpu.memory_space<hbm>> -> memref<128x256xf32, #tpu.memory_space<hbm>>
    %dma_start3A_466 = arith.constant 0 : i32
    %dma_start3A_467 = arith.constant 0 : i32
    %dma_start3A_468 = tpu.memref_slice %arg6[%dma_start3A_454, %dma_start3A_466, %dma_start3A_467] : memref<2x128x256xf32, #tpu.memory_space<vmem>> -> memref<1x128x256xf32, #tpu.memory_space<vmem>>
    %dma_start3A_469 = tpu.memref_squeeze %dma_start3A_468 : memref<1x128x256xf32, #tpu.memory_space<vmem>> -> memref<128x256xf32, #tpu.memory_space<vmem>>
    tpu.enqueue_dma source(%dma_start3A_469 : memref<128x256xf32, #tpu.memory_space<vmem>>) target(%dma_start3A_465 : memref<128x256xf32, #tpu.memory_space<hbm>>) target_semaphore(%dma_start3A_463 : memref<!tpu.dma_semaphore, #tpu.memory_space<semaphore_mem>>)
    %dma_wait3A_470 = arith.constant 1 : i32
    %dma_wait3A_471 = arith.constant 1 : i32
    %dma_wait3A_472 = arith.constant 1 : i32
    %dma_wait3A_473 = arith.constant 0 : i32
    %dma_wait3A_474 = arith.constant 0 : i32
    %dma_wait3A_475 = tpu.memref_slice %arg6[%dma_wait3A_471, %dma_wait3A_473, %dma_wait3A_474] : memref<2x128x256xf32, #tpu.memory_space<vmem>> -> memref<1x128x256xf32, #tpu.memory_space<vmem>>
    %dma_wait3A_476 = tpu.memref_squeeze %dma_wait3A_475 : memref<1x128x256xf32, #tpu.memory_space<vmem>> -> memref<128x256xf32, #tpu.memory_space<vmem>>
    %dma_wait3A_477 = arith.constant 0 : i32
    %dma_wait3A_478 = tpu.memref_slice %arg5[%dma_wait3A_470, %dma_wait3A_477] : memref<2x128xi32, #tpu.memory_space<vmem>> -> memref<1x128xi32, #tpu.memory_space<vmem>>
    %dma_wait3A_479 = tpu.memref_squeeze %dma_wait3A_478 : memref<1x128xi32, #tpu.memory_space<vmem>> -> memref<128xi32, #tpu.memory_space<vmem>>
    %dma_wait3A_480 = arith.constant 0 : i32
    %dma_wait3A_481 = arith.constant 0 : i32
    %dma_wait3A_482 = tpu.memref_slice %arg2[%dma_wait3A_480, %dma_wait3A_481] : memref<1024x256xf32, #tpu.memory_space<hbm>> -> memref<1024x256xf32, #tpu.memory_space<hbm>>
    %dma_wait3A_483 = tpu.memref_slice %arg7[%dma_wait3A_472] : memref<2x!tpu.dma_semaphore, #tpu.memory_space<semaphore_mem>> -> memref<1x!tpu.dma_semaphore, #tpu.memory_space<semaphore_mem>>
    %dma_wait3A_484 = tpu.memref_squeeze %dma_wait3A_483 : memref<1x!tpu.dma_semaphore, #tpu.memory_space<semaphore_mem>> -> memref<!tpu.dma_semaphore, #tpu.memory_space<semaphore_mem>>
    tpu.wait_indirect_dma semaphore(%dma_wait3A_484 : memref<!tpu.dma_semaphore, #tpu.memory_space<semaphore_mem>>) src(%dma_wait3A_482 : memref<1024x256xf32, #tpu.memory_space<hbm>>) dst(%dma_wait3A_476 : memref<128x256xf32, #tpu.memory_space<vmem>>)
    %add3A_485 = arith.constant 896 : i32
    %add3A_486 = arith.addi %mul3A_2, %add3A_485 : i32
    %dma_start3A_487 = arith.constant 1 : i32
    %dma_start3A_488 = arith.constant 1 : i32
    %dma_start3A_489 = arith.constant 0 : i32
    %dma_start3A_490 = arith.constant 0 : i32
    %dma_start3A_491 = tpu.memref_slice %arg6[%dma_start3A_487, %dma_start3A_489, %dma_start3A_490] : memref<2x128x256xf32, #tpu.memory_space<vmem>> -> memref<1x128x256xf32, #tpu.memory_space<vmem>>
    %dma_start3A_492 = tpu.memref_squeeze %dma_start3A_491 : memref<1x128x256xf32, #tpu.memory_space<vmem>> -> memref<128x256xf32, #tpu.memory_space<vmem>>
    %dma_start3A_493 = arith.constant 0 : i32
    %dma_start3A_494 = tpu.memref_slice %arg4[%add3A_486, %dma_start3A_493] : memref<32768x256xf32, #tpu.memory_space<hbm>> -> memref<128x256xf32, #tpu.memory_space<hbm>>
    %dma_start3A_495 = tpu.memref_slice %arg8[%dma_start3A_488] : memref<2x!tpu.dma_semaphore, #tpu.memory_space<semaphore_mem>> -> memref<1x!tpu.dma_semaphore, #tpu.memory_space<semaphore_mem>>
    %dma_start3A_496 = tpu.memref_squeeze %dma_start3A_495 : memref<1x!tpu.dma_semaphore, #tpu.memory_space<semaphore_mem>> -> memref<!tpu.dma_semaphore, #tpu.memory_space<semaphore_mem>>
    %dma_start3A_497 = arith.constant 0 : i32
    %dma_start3A_498 = tpu.memref_slice %arg4[%add3A_486, %dma_start3A_497] : memref<32768x256xf32, #tpu.memory_space<hbm>> -> memref<128x256xf32, #tpu.memory_space<hbm>>
    %dma_start3A_499 = arith.constant 0 : i32
    %dma_start3A_500 = arith.constant 0 : i32
    %dma_start3A_501 = tpu.memref_slice %arg6[%dma_start3A_487, %dma_start3A_499, %dma_start3A_500] : memref<2x128x256xf32, #tpu.memory_space<vmem>> -> memref<1x128x256xf32, #tpu.memory_space<vmem>>
    %dma_start3A_502 = tpu.memref_squeeze %dma_start3A_501 : memref<1x128x256xf32, #tpu.memory_space<vmem>> -> memref<128x256xf32, #tpu.memory_space<vmem>>
    tpu.enqueue_dma source(%dma_start3A_502 : memref<128x256xf32, #tpu.memory_space<vmem>>) target(%dma_start3A_498 : memref<128x256xf32, #tpu.memory_space<hbm>>) target_semaphore(%dma_start3A_496 : memref<!tpu.dma_semaphore, #tpu.memory_space<semaphore_mem>>)
    %dma_wait3A_503 = arith.constant 0 : i32
    %dma_wait3A_504 = arith.constant 0 : i32
    %dma_wait3A_505 = arith.constant 0 : i32
    %dma_wait3A_506 = arith.constant 0 : i32
    %dma_wait3A_507 = tpu.memref_slice %arg6[%dma_wait3A_503, %dma_wait3A_505, %dma_wait3A_506] : memref<2x128x256xf32, #tpu.memory_space<vmem>> -> memref<1x128x256xf32, #tpu.memory_space<vmem>>
    %dma_wait3A_508 = tpu.memref_squeeze %dma_wait3A_507 : memref<1x128x256xf32, #tpu.memory_space<vmem>> -> memref<128x256xf32, #tpu.memory_space<vmem>>
    %dma_wait3A_509 = arith.constant 0 : i32
    %dma_wait3A_510 = tpu.memref_slice %arg4[%sub3A_453, %dma_wait3A_509] : memref<32768x256xf32, #tpu.memory_space<hbm>> -> memref<128x256xf32, #tpu.memory_space<hbm>>
    %dma_wait3A_511 = tpu.memref_slice %arg8[%dma_wait3A_504] : memref<2x!tpu.dma_semaphore, #tpu.memory_space<semaphore_mem>> -> memref<1x!tpu.dma_semaphore, #tpu.memory_space<semaphore_mem>>
    %dma_wait3A_512 = tpu.memref_squeeze %dma_wait3A_511 : memref<1x!tpu.dma_semaphore, #tpu.memory_space<semaphore_mem>> -> memref<!tpu.dma_semaphore, #tpu.memory_space<semaphore_mem>>
    %dma_wait3A_513 = arith.constant 0 : i32
    %dma_wait3A_514 = tpu.memref_slice %arg4[%sub3A_453, %dma_wait3A_513] : memref<32768x256xf32, #tpu.memory_space<hbm>> -> memref<128x256xf32, #tpu.memory_space<hbm>>
    %dma_wait3A_515 = arith.constant 0 : i32
    %dma_wait3A_516 = arith.constant 0 : i32
    %dma_wait3A_517 = tpu.memref_slice %arg6[%dma_wait3A_503, %dma_wait3A_515, %dma_wait3A_516] : memref<2x128x256xf32, #tpu.memory_space<vmem>> -> memref<1x128x256xf32, #tpu.memory_space<vmem>>
    %dma_wait3A_518 = tpu.memref_squeeze %dma_wait3A_517 : memref<1x128x256xf32, #tpu.memory_space<vmem>> -> memref<128x256xf32, #tpu.memory_space<vmem>>
    tpu.wait_dma2 semaphore(%dma_wait3A_512 : memref<!tpu.dma_semaphore, #tpu.memory_space<semaphore_mem>>) src(%dma_wait3A_518 : memref<128x256xf32, #tpu.memory_space<vmem>>) dst(%dma_wait3A_514 : memref<128x256xf32, #tpu.memory_space<hbm>>)
    %dma_wait3A_519 = arith.constant 1 : i32
    %dma_wait3A_520 = arith.constant 1 : i32
    %dma_wait3A_521 = arith.constant 0 : i32
    %dma_wait3A_522 = arith.constant 0 : i32
    %dma_wait3A_523 = tpu.memref_slice %arg6[%dma_wait3A_519, %dma_wait3A_521, %dma_wait3A_522] : memref<2x128x256xf32, #tpu.memory_space<vmem>> -> memref<1x128x256xf32, #tpu.memory_space<vmem>>
    %dma_wait3A_524 = tpu.memref_squeeze %dma_wait3A_523 : memref<1x128x256xf32, #tpu.memory_space<vmem>> -> memref<128x256xf32, #tpu.memory_space<vmem>>
    %dma_wait3A_525 = arith.constant 0 : i32
    %dma_wait3A_526 = tpu.memref_slice %arg4[%add3A_486, %dma_wait3A_525] : memref<32768x256xf32, #tpu.memory_space<hbm>> -> memref<128x256xf32, #tpu.memory_space<hbm>>
    %dma_wait3A_527 = tpu.memref_slice %arg8[%dma_wait3A_520] : memref<2x!tpu.dma_semaphore, #tpu.memory_space<semaphore_mem>> -> memref<1x!tpu.dma_semaphore, #tpu.memory_space<semaphore_mem>>
    %dma_wait3A_528 = tpu.memref_squeeze %dma_wait3A_527 : memref<1x!tpu.dma_semaphore, #tpu.memory_space<semaphore_mem>> -> memref<!tpu.dma_semaphore, #tpu.memory_space<semaphore_mem>>
    %dma_wait3A_529 = arith.constant 0 : i32
    %dma_wait3A_530 = tpu.memref_slice %arg4[%add3A_486, %dma_wait3A_529] : memref<32768x256xf32, #tpu.memory_space<hbm>> -> memref<128x256xf32, #tpu.memory_space<hbm>>
    %dma_wait3A_531 = arith.constant 0 : i32
    %dma_wait3A_532 = arith.constant 0 : i32
    %dma_wait3A_533 = tpu.memref_slice %arg6[%dma_wait3A_519, %dma_wait3A_531, %dma_wait3A_532] : memref<2x128x256xf32, #tpu.memory_space<vmem>> -> memref<1x128x256xf32, #tpu.memory_space<vmem>>
    %dma_wait3A_534 = tpu.memref_squeeze %dma_wait3A_533 : memref<1x128x256xf32, #tpu.memory_space<vmem>> -> memref<128x256xf32, #tpu.memory_space<vmem>>
    tpu.wait_dma2 semaphore(%dma_wait3A_528 : memref<!tpu.dma_semaphore, #tpu.memory_space<semaphore_mem>>) src(%dma_wait3A_534 : memref<128x256xf32, #tpu.memory_space<vmem>>) dst(%dma_wait3A_530 : memref<128x256xf32, #tpu.memory_space<hbm>>)
    return
  }
}

module attributes {stable_mosaic.version = 14 : i64} {
  func.func @_c2_once(%arg0: memref<1024x256xf32, #tpu.memory_space<vmem>>, %arg1: memref<1x1024xf32, #tpu.memory_space<vmem>>) attributes {dimension_semantics = [], scalar_prefetch = 0 : i64, scratch_operands = 0 : i64, tpu.core_type = #tpu.core_type<tc>} {
    %get3A = arith.constant 0 : index
    %get3A_0 = arith.constant 0 : index
    %get3A_1 = vector.load %arg0[%get3A, %get3A_0] : memref<1024x256xf32, #tpu.memory_space<vmem>>, vector<1024x256xf32>
    %mul3A = arith.mulf %get3A_1, %get3A_1 : vector<1024x256xf32>
    %reduce_sum3A = arith.constant dense<0.000000e+00> : vector<1024xf32>
    %reduce_sum3A_2 = vector.multi_reduction <add>, %mul3A, %reduce_sum3A [1] : vector<1024x256xf32> to vector<1024xf32>
    %broadcast_in_dim3A = vector.shape_cast %reduce_sum3A_2 : vector<1024xf32> to vector<1x1024xf32>
    %swap3A = arith.constant 0 : index
    %swap3A_3 = arith.constant 0 : index
    %swap3A_4 = vector.load %arg1[%swap3A, %swap3A_3] : memref<1x1024xf32, #tpu.memory_space<vmem>>, vector<1x1024xf32>
    tpu.vector_store %arg1[%swap3A, %swap3A_3], %broadcast_in_dim3A {strides = array<i32>} : memref<1x1024xf32, #tpu.memory_space<vmem>>, vector<1x1024xf32>,
    return
  }
}

module attributes {stable_mosaic.version = 14 : i64} {
  func.func @_argmin_block(%arg0: i32, %arg1: memref<4096x256xf32, #tpu.memory_space<vmem>>, %arg2: memref<1024x256xf32, #tpu.memory_space<vmem>>, %arg3: memref<1x1024xf32, #tpu.memory_space<vmem>>, %arg4: memref<4096x1xi32, #tpu.memory_space<vmem>>) attributes {dimension_semantics = [#tpu.dimension_semantics<parallel>], iteration_bounds = array<i64: 8>, scalar_prefetch = 0 : i64, scratch_operands = 0 : i64, tpu.core_type = #tpu.core_type<tc>, window_params = [{transform_indices = @transform_0, window_bounds = array<i64: 4096, 256>}, {pipeline_mode = #tpu.pipeline_mode<synchronous>, transform_indices = @transform_1, window_bounds = array<i64: 1024, 256>}, {pipeline_mode = #tpu.pipeline_mode<synchronous>, transform_indices = @transform_2, window_bounds = array<i64: 1, 1024>}, {transform_indices = @transform_3, window_bounds = array<i64: 4096, 1>}]} {
    %get3A = arith.constant 0 : index
    %get3A_0 = arith.constant 0 : index
    %get3A_1 = vector.load %arg1[%get3A, %get3A_0] : memref<4096x256xf32, #tpu.memory_space<vmem>>, vector<4096x256xf32>
    %get3A_2 = arith.constant 0 : index
    %get3A_3 = arith.constant 0 : index
    %get3A_4 = vector.load %arg2[%get3A_2, %get3A_3] : memref<1024x256xf32, #tpu.memory_space<vmem>>, vector<1024x256xf32>
    %get3A_5 = arith.constant 0 : index
    %get3A_6 = arith.constant 0 : index
    %get3A_7 = vector.load %arg3[%get3A_5, %get3A_6] : memref<1x1024xf32, #tpu.memory_space<vmem>>, vector<1x1024xf32>
    %mul3A = arith.constant -2.000000e+00 : f32
    %mul3A_8 = vector.broadcast %mul3A : f32 to vector<4096x256xf32>
    %mul3A_9 = arith.mulf %get3A_1, %mul3A_8 : vector<4096x256xf32>
    %dot_general3A = arith.constant dense<0.000000e+00> : vector<4096x1024xf32>
    %dot_general3A_10 = tpu.matmul %mul3A_9, %get3A_4, %dot_general3A {dimension_numbers = #tpu.dot_dimension_numbers<[1], [1], [0], [0], [0, 0, 1, 0], [], []>, transpose_lhs_hint = false} : vector<4096x256xf32>, vector<1024x256xf32>, vector<4096x1024xf32> -> vector<4096x1024xf32>
    %mul3A_11 = arith.mulf %get3A_1, %get3A_1 : vector<4096x256xf32>
    %reduce_sum3A = arith.constant dense<0.000000e+00> : vector<4096xf32>
    %reduce_sum3A_12 = vector.multi_reduction <add>, %mul3A_11, %reduce_sum3A [1] : vector<4096x256xf32> to vector<4096xf32>
    %broadcast_in_dim3A = vector.shape_cast %reduce_sum3A_12 : vector<4096xf32> to vector<4096x1xf32>
    %iota3A = tpu.iota {dimensions = array<i32: 1>} : vector<4096x128xi32>
    %convert_element_type3A = arith.sitofp %iota3A : vector<4096x128xi32> to vector<4096x128xf32>
    %slice3A = vector.extract_strided_slice %dot_general3A_10 {offsets = [0, 0], sizes = [4096, 128], strides = [1, 1]} : vector<4096x1024xf32> to vector<4096x128xf32>
    %add3A = vector.broadcast %broadcast_in_dim3A : vector<4096x1xf32> to vector<4096x128xf32>
    %add3A_13 = arith.addf %add3A, %slice3A : vector<4096x128xf32>
    %slice3A_14 = vector.extract_strided_slice %get3A_7 {offsets = [0, 0], sizes = [1, 128], strides = [1, 1]} : vector<1x1024xf32> to vector<1x128xf32>
    %add3A_15 = vector.broadcast %slice3A_14 : vector<1x128xf32> to vector<4096x128xf32>
    %add3A_16 = arith.addf %add3A_13, %add3A_15 : vector<4096x128xf32>
    %slice3A_17 = vector.extract_strided_slice %dot_general3A_10 {offsets = [0, 128], sizes = [4096, 128], strides = [1, 1]} : vector<4096x1024xf32> to vector<4096x128xf32>
    %add3A_18 = vector.broadcast %broadcast_in_dim3A : vector<4096x1xf32> to vector<4096x128xf32>
    %add3A_19 = arith.addf %add3A_18, %slice3A_17 : vector<4096x128xf32>
    %slice3A_20 = vector.extract_strided_slice %get3A_7 {offsets = [0, 128], sizes = [1, 128], strides = [1, 1]} : vector<1x1024xf32> to vector<1x128xf32>
    %add3A_21 = vector.broadcast %slice3A_20 : vector<1x128xf32> to vector<4096x128xf32>
    %add3A_22 = arith.addf %add3A_19, %add3A_21 : vector<4096x128xf32>
    %lt3A = arith.cmpf olt, %add3A_22, %add3A_16 : vector<4096x128xf32>
    %add3A_23 = arith.constant 1.280000e+02 : f32
    %add3A_24 = vector.broadcast %add3A_23 : f32 to vector<4096x128xf32>
    %add3A_25 = arith.addf %convert_element_type3A, %add3A_24 : vector<4096x128xf32>
    %select_n3A = arith.select %lt3A, %add3A_25, %convert_element_type3A : vector<4096x128xi1>, vector<4096x128xf32>
    %min3A = arith.minimumf %add3A_22, %add3A_16 : vector<4096x128xf32>
    %slice3A_26 = vector.extract_strided_slice %dot_general3A_10 {offsets = [0, 256], sizes = [4096, 128], strides = [1, 1]} : vector<4096x1024xf32> to vector<4096x128xf32>
    %add3A_27 = vector.broadcast %broadcast_in_dim3A : vector<4096x1xf32> to vector<4096x128xf32>
    %add3A_28 = arith.addf %add3A_27, %slice3A_26 : vector<4096x128xf32>
    %slice3A_29 = vector.extract_strided_slice %get3A_7 {offsets = [0, 256], sizes = [1, 128], strides = [1, 1]} : vector<1x1024xf32> to vector<1x128xf32>
    %add3A_30 = vector.broadcast %slice3A_29 : vector<1x128xf32> to vector<4096x128xf32>
    %add3A_31 = arith.addf %add3A_28, %add3A_30 : vector<4096x128xf32>
    %lt3A_32 = arith.cmpf olt, %add3A_31, %min3A : vector<4096x128xf32>
    %add3A_33 = arith.constant 2.560000e+02 : f32
    %add3A_34 = vector.broadcast %add3A_33 : f32 to vector<4096x128xf32>
    %add3A_35 = arith.addf %convert_element_type3A, %add3A_34 : vector<4096x128xf32>
    %select_n3A_36 = arith.select %lt3A_32, %add3A_35, %select_n3A : vector<4096x128xi1>, vector<4096x128xf32>
    %min3A_37 = arith.minimumf %add3A_31, %min3A : vector<4096x128xf32>
    %slice3A_38 = vector.extract_strided_slice %dot_general3A_10 {offsets = [0, 384], sizes = [4096, 128], strides = [1, 1]} : vector<4096x1024xf32> to vector<4096x128xf32>
    %add3A_39 = vector.broadcast %broadcast_in_dim3A : vector<4096x1xf32> to vector<4096x128xf32>
    %add3A_40 = arith.addf %add3A_39, %slice3A_38 : vector<4096x128xf32>
    %slice3A_41 = vector.extract_strided_slice %get3A_7 {offsets = [0, 384], sizes = [1, 128], strides = [1, 1]} : vector<1x1024xf32> to vector<1x128xf32>
    %add3A_42 = vector.broadcast %slice3A_41 : vector<1x128xf32> to vector<4096x128xf32>
    %add3A_43 = arith.addf %add3A_40, %add3A_42 : vector<4096x128xf32>
    %lt3A_44 = arith.cmpf olt, %add3A_43, %min3A_37 : vector<4096x128xf32>
    %add3A_45 = arith.constant 3.840000e+02 : f32
    %add3A_46 = vector.broadcast %add3A_45 : f32 to vector<4096x128xf32>
    %add3A_47 = arith.addf %convert_element_type3A, %add3A_46 : vector<4096x128xf32>
    %select_n3A_48 = arith.select %lt3A_44, %add3A_47, %select_n3A_36 : vector<4096x128xi1>, vector<4096x128xf32>
    %min3A_49 = arith.minimumf %add3A_43, %min3A_37 : vector<4096x128xf32>
    %slice3A_50 = vector.extract_strided_slice %dot_general3A_10 {offsets = [0, 512], sizes = [4096, 128], strides = [1, 1]} : vector<4096x1024xf32> to vector<4096x128xf32>
    %add3A_51 = vector.broadcast %broadcast_in_dim3A : vector<4096x1xf32> to vector<4096x128xf32>
    %add3A_52 = arith.addf %add3A_51, %slice3A_50 : vector<4096x128xf32>
    %slice3A_53 = vector.extract_strided_slice %get3A_7 {offsets = [0, 512], sizes = [1, 128], strides = [1, 1]} : vector<1x1024xf32> to vector<1x128xf32>
    %add3A_54 = vector.broadcast %slice3A_53 : vector<1x128xf32> to vector<4096x128xf32>
    %add3A_55 = arith.addf %add3A_52, %add3A_54 : vector<4096x128xf32>
    %lt3A_56 = arith.cmpf olt, %add3A_55, %min3A_49 : vector<4096x128xf32>
    %add3A_57 = arith.constant 5.120000e+02 : f32
    %add3A_58 = vector.broadcast %add3A_57 : f32 to vector<4096x128xf32>
    %add3A_59 = arith.addf %convert_element_type3A, %add3A_58 : vector<4096x128xf32>
    %select_n3A_60 = arith.select %lt3A_56, %add3A_59, %select_n3A_48 : vector<4096x128xi1>, vector<4096x128xf32>
    %min3A_61 = arith.minimumf %add3A_55, %min3A_49 : vector<4096x128xf32>
    %slice3A_62 = vector.extract_strided_slice %dot_general3A_10 {offsets = [0, 640], sizes = [4096, 128], strides = [1, 1]} : vector<4096x1024xf32> to vector<4096x128xf32>
    %add3A_63 = vector.broadcast %broadcast_in_dim3A : vector<4096x1xf32> to vector<4096x128xf32>
    %add3A_64 = arith.addf %add3A_63, %slice3A_62 : vector<4096x128xf32>
    %slice3A_65 = vector.extract_strided_slice %get3A_7 {offsets = [0, 640], sizes = [1, 128], strides = [1, 1]} : vector<1x1024xf32> to vector<1x128xf32>
    %add3A_66 = vector.broadcast %slice3A_65 : vector<1x128xf32> to vector<4096x128xf32>
    %add3A_67 = arith.addf %add3A_64, %add3A_66 : vector<4096x128xf32>
    %lt3A_68 = arith.cmpf olt, %add3A_67, %min3A_61 : vector<4096x128xf32>
    %add3A_69 = arith.constant 6.400000e+02 : f32
    %add3A_70 = vector.broadcast %add3A_69 : f32 to vector<4096x128xf32>
    %add3A_71 = arith.addf %convert_element_type3A, %add3A_70 : vector<4096x128xf32>
    %select_n3A_72 = arith.select %lt3A_68, %add3A_71, %select_n3A_60 : vector<4096x128xi1>, vector<4096x128xf32>
    %min3A_73 = arith.minimumf %add3A_67, %min3A_61 : vector<4096x128xf32>
    %slice3A_74 = vector.extract_strided_slice %dot_general3A_10 {offsets = [0, 768], sizes = [4096, 128], strides = [1, 1]} : vector<4096x1024xf32> to vector<4096x128xf32>
    %add3A_75 = vector.broadcast %broadcast_in_dim3A : vector<4096x1xf32> to vector<4096x128xf32>
    %add3A_76 = arith.addf %add3A_75, %slice3A_74 : vector<4096x128xf32>
    %slice3A_77 = vector.extract_strided_slice %get3A_7 {offsets = [0, 768], sizes = [1, 128], strides = [1, 1]} : vector<1x1024xf32> to vector<1x128xf32>
    %add3A_78 = vector.broadcast %slice3A_77 : vector<1x128xf32> to vector<4096x128xf32>
    %add3A_79 = arith.addf %add3A_76, %add3A_78 : vector<4096x128xf32>
    %lt3A_80 = arith.cmpf olt, %add3A_79, %min3A_73 : vector<4096x128xf32>
    %add3A_81 = arith.constant 7.680000e+02 : f32
    %add3A_82 = vector.broadcast %add3A_81 : f32 to vector<4096x128xf32>
    %add3A_83 = arith.addf %convert_element_type3A, %add3A_82 : vector<4096x128xf32>
    %select_n3A_84 = arith.select %lt3A_80, %add3A_83, %select_n3A_72 : vector<4096x128xi1>, vector<4096x128xf32>
    %min3A_85 = arith.minimumf %add3A_79, %min3A_73 : vector<4096x128xf32>
    %slice3A_86 = vector.extract_strided_slice %dot_general3A_10 {offsets = [0, 896], sizes = [4096, 128], strides = [1, 1]} : vector<4096x1024xf32> to vector<4096x128xf32>
    %add3A_87 = vector.broadcast %broadcast_in_dim3A : vector<4096x1xf32> to vector<4096x128xf32>
    %add3A_88 = arith.addf %add3A_87, %slice3A_86 : vector<4096x128xf32>
    %slice3A_89 = vector.extract_strided_slice %get3A_7 {offsets = [0, 896], sizes = [1, 128], strides = [1, 1]} : vector<1x1024xf32> to vector<1x128xf32>
    %add3A_90 = vector.broadcast %slice3A_89 : vector<1x128xf32> to vector<4096x128xf32>
    %add3A_91 = arith.addf %add3A_88, %add3A_90 : vector<4096x128xf32>
    %lt3A_92 = arith.cmpf olt, %add3A_91, %min3A_85 : vector<4096x128xf32>
    %add3A_93 = arith.constant 8.960000e+02 : f32
    %add3A_94 = vector.broadcast %add3A_93 : f32 to vector<4096x128xf32>
    %add3A_95 = arith.addf %convert_element_type3A, %add3A_94 : vector<4096x128xf32>
    %select_n3A_96 = arith.select %lt3A_92, %add3A_95, %select_n3A_84 : vector<4096x128xi1>, vector<4096x128xf32>
    %min3A_97 = arith.minimumf %add3A_91, %min3A_85 : vector<4096x128xf32>
    %reduce_min3A = arith.constant dense<0x7F800000> : vector<4096xf32>
    %reduce_min3A_98 = vector.multi_reduction <minimumf>, %min3A_97, %reduce_min3A [1] : vector<4096x128xf32> to vector<4096xf32>
    %broadcast_in_dim3A_99 = vector.shape_cast %reduce_min3A_98 : vector<4096xf32> to vector<4096x1xf32>
    %eq3A = vector.broadcast %broadcast_in_dim3A_99 : vector<4096x1xf32> to vector<4096x128xf32>
    %eq3A_100 = arith.cmpf oeq, %min3A_97, %eq3A : vector<4096x128xf32>
    %jit3A = arith.constant 1.024000e+03 : f32
    %broadcast_in_dim3A_101 = vector.broadcast %jit3A : f32 to vector<4096x128xf32>
    %select_n3A_102 = arith.select %eq3A_100, %select_n3A_96, %broadcast_in_dim3A_101 : vector<4096x128xi1>, vector<4096x128xf32>
    %reduce_min3A_103 = arith.constant dense<0x7F800000> : vector<4096xf32>
    %reduce_min3A_104 = vector.multi_reduction <minimumf>, %select_n3A_102, %reduce_min3A_103 [1] : vector<4096x128xf32> to vector<4096xf32>
    %broadcast_in_dim3A_105 = vector.shape_cast %reduce_min3A_104 : vector<4096xf32> to vector<4096x1xf32>
    %convert_element_type3A_106 = arith.fptosi %broadcast_in_dim3A_105 : vector<4096x1xf32> to vector<4096x1xi32>
    %swap3A = arith.constant 0 : index
    %swap3A_107 = arith.constant 0 : index
    %swap3A_108 = vector.load %arg4[%swap3A, %swap3A_107] : memref<4096x1xi32, #tpu.memory_space<vmem>>, vector<4096x1xi32>
    tpu.vector_store %arg4[%swap3A, %swap3A_107], %convert_element_type3A_106 {strides = array<i32>} : memref<4096x1xi32, #tpu.memory_space<vmem>>, vector<4096x1xi32>,
    return
  }
  func.func @transform_0(%arg0: i32) -> (i32, i32) {
    %c0_i32 = arith.constant 0 : i32
    %c0_i32_0 = arith.constant 0 : i32
    return %arg0, %c0_i32 : i32, i32
  }
  func.func @transform_1(%arg0: i32) -> (i32, i32) {
    %c0_i32 = arith.constant 0 : i32
    %c0_i32_0 = arith.constant 0 : i32
    %c0_i32_1 = arith.constant 0 : i32
    return %c0_i32, %c0_i32_0 : i32, i32
  }
  func.func @transform_2(%arg0: i32) -> (i32, i32) {
    %c0_i32 = arith.constant 0 : i32
    %c0_i32_0 = arith.constant 0 : i32
    %c0_i32_1 = arith.constant 0 : i32
    return %c0_i32, %c0_i32_0 : i32, i32
  }
  func.func @transform_3(%arg0: i32) -> (i32, i32) {
    %c0_i32 = arith.constant 0 : i32
    %c0_i32_0 = arith.constant 0 : i32
    return %arg0, %c0_i32 : i32, i32
  }
}

</mosaic_0001>

<sc_bundles>
// kernel: kernel.5.cloned.1.call-start
scs
__scs_entry_jumppad:
0x0: {  	(pc) =	sbr.rel $0x88, $3  }
0x1: {  	(tag) =	ssettag $0x0;
	lr =	simm.s32 $0x1  }
0x2: {  	[smem:$0x3F9F] =	sst lr;
	_ =	strace $0xD0000000  }
0x3: {  	_ = 	snop  }
0x4: {  	_ = 	snop  }
0x5: {  	_ = 	snop  }
0x6: {  	_ = 	snop  }
0x7: {  	_ = 	snop  }
__scs_overlays_trampoline_lowered:
0x8: {  	[smem:$0x3FAE] =	sst s0  }
0x9: {  	[smem:$0x3FAF] =	sst s1  }
0xa: {  	[smem:$0x3FB0] =	sst s2  }
0xb: {  	[smem:$0x3FB1] =	sst s3  }
0xc: {  	[smem:$0x3FB2] =	sst s4  }
0xd: {  	[smem:$0x3FB3] =	sst s5  }
0xe: {  	[smem:$0x3FB4] =	sst s6  }
0xf: {  	[smem:$0x3FB5] =	sst s7  }
0x10: {  	[smem:$0x3FB6] =	sst s8  }
0x11: {  	[smem:$0x3FB7] =	sst s9;
	s0 =	simm.s32 @!p0 $0x0  }
0x12: {  	s1 =	sld [smem:$0x3F9D];
	s0 =	simm.s32 @p0 $0x1  }
0x13: {  	[smem:$0x3FB8] =	sst s0;
	s0 =	simm.s32 @!p1 $0x0  }
0x14: {  	s2 =	sld [smem:$0x3F9C];
	s0 =	simm.s32 @p1 $0x1  }
0x15: {  	[smem:$0x3FB9] =	sst s0;
	s0 =	simm.s32 @!p2 $0x0  }
0x16: {  	s3 =	sld [smem:$0x3FDB];
	s0 =	simm.s32 @p2 $0x1  }
0x17: {  	s4 =	simm.s32 $0x1BF5;
	[smem:$0x3FBB] =	sst s0  }
0x18: {  	s0 =	sld [smem:$0x3F9E];
	_ =	swait.ge [sflag:s4], $0x0  }
0x19: {  	s7 =	sld [smem:$0x3F9F]  }
0x1a: {  	s8 =	sadd.s32 $0xFFFFE003, lr  }
0x1b: {  	s9 =	sadd.s32 $0xFFFFFEF7, lr;
	s5 =	simm.s32 $0xFFFFFFFF;
	p2 =	slt.u32 s8, $0xFFFFF086  }
0x1c: {  	p1 =	slt.u32 s9, $0xF7A;
	s5 =	simm.s32 @!p2 $0x0  }
0x1d: {  	s5 =	simm.s32 @p1 $0x1;
	p0 =	seq.s32 s7, s2  }
0x1e: {  	s7 =	smul.u32 @!p0 $0xF7A, s2;
	p2 =	seq.s32 @!p0 s5, $0x0  }
0x1f: {  	s9 =	smul.u32 $0xF7A, s1;
	s8 =	simm.s32 @!p0 $0x1BF5;
	p2 =	por !p2, p0  }
0x20: {  	[sflag:s8] =	ssyncset.s32 @!p0 $0xFFFFF086;
	s6 =	sadd.s32 @!p0 s3, s7;
	s7 =	simm.s32 @!p0 $0x108  }
0x21: {  	s3 =	sadd.s32 s3, s9;
	s6 =	sadd.s32 @!p0 $0x88, s6;
	s7 =	simm.s32 @p2 $0x1082  }
0x22: {  	[simem:s7], [sflag:s8] =	dma.local @!p0 [hbm:s6], $0xF7A  }
0x23: {  	s9 =	sor.u32 $0xD0000000, s2;
	s6 =	simm.s32 $0x108;
	_ =	swait.ge @!p0 [sflag:s8], $0x0  }
0x24: {  	s3 =	sadd.s32 $0x88, s3;
	s6 =	simm.s32 @!p1 $0x1082;
	[sflag:s4] =	ssyncset.s32 $0xFFFFF086  }
0x25: {  	[simem:s6], [sflag:s4] =	dma.local [hbm:s3], $0xF7A  }
0x26: {  	[smem:$0x3F9F] =	sst s1;
	(tag) =	ssettag s2;
	_ =	strace s9  }
0x27: {  	s1 =	sld [smem:$0x3FAF]  }
0x28: {  	s2 =	sld [smem:$0x3FB0]  }
0x29: {  	s4 =	sld [smem:$0x3FB2]  }
0x2a: {  	p0 =	seq.s32 s5, $0x0;
	s5 =	sld [smem:$0x3FB3]  }
0x2b: {  	s6 =	sld [smem:$0x3FB4]  }
0x2c: {  	s7 =	sld [smem:$0x3FB5]  }
0x2d: {  	s3 =	simm.s32 $0x108;
	s8 =	sld [smem:$0x3FB6]  }
0x2e: {  	s3 =	simm.s32 @!p0 $0x1082;
	s9 =	sld [smem:$0x3FB7]  }
0x2f: {  	lr =	sadd.s32 s0, s3;
	s0 =	sld [smem:$0x3FAE]  }
0x30: {  	s3 =	sld [smem:$0x3FB1]  }
0x31: {  	[smem:$0x3FBA] =	sst s10  }
0x32: {  	s10 =	sld [smem:$0x3FB8];
	_ =	sdelay $0x3  }
0x33: {  	p0 =	seq.s32 s10, $0x1;
	s10 =	sld [smem:$0x3FBA];
	_ =	sdelay $0x3  }
0x34: {  	[smem:$0x3FBA] =	sst s10  }
0x35: {  	s10 =	sld [smem:$0x3FB9];
	_ =	sdelay $0x3  }
0x36: {  	p1 =	seq.s32 s10, $0x1;
	s10 =	sld [smem:$0x3FBA];
	_ =	sdelay $0x3  }
0x37: {  	[smem:$0x3FBA] =	sst s10  }
0x38: {  	s10 =	sld [smem:$0x3FBB]  }
0x39: {  	_ = 	snop;
	(pc) =	sbr.ind lr, $3  }
0x3a: {  	_ = 	snop  }
0x3b: {  	_ = 	snop  }
0x3c: {  	p2 =	seq.s32 s10, $0x1;
	s10 =	sld [smem:$0x3FBA]  }
0x3d: {  	_ =	shalt  }
0x3e: {  	_ =	shalt  }
0x3f: {  	_ =	shalt  }
0x40: {  	_ =	shalt  }
0x41: {  	_ =	shalt  }
0x42: {  	_ =	shalt  }
0x43: {  	_ =	shalt  }
0x44: {  	_ =	shalt  }
0x45: {  	_ =	shalt  }
0x46: {  	_ =	shalt  }
0x47: {  	_ =	shalt  }
0x48: {  	_ =	shalt  }
0x49: {  	_ =	shalt  }
0x4a: {  	_ =	shalt  }
0x4b: {  	_ =	shalt  }
0x4c: {  	_ =	shalt  }
0x4d: {  	_ =	shalt  }
0x4e: {  	_ =	shalt  }
0x4f: {  	_ =	shalt  }
0x50: {  	_ =	shalt  }
0x51: {  	_ =	shalt  }
0x52: {  	_ =	shalt  }
0x53: {  	_ =	shalt  }
0x54: {  	_ =	shalt  }
0x55: {  	_ =	shalt  }
0x56: {  	_ =	shalt  }
0x57: {  	_ =	shalt  }
0x58: {  	_ =	shalt  }
0x59: {  	_ =	shalt  }
0x5a: {  	_ =	shalt  }
0x5b: {  	_ =	shalt  }
0x5c: {  	_ =	shalt  }
0x5d: {  	_ =	shalt  }
0x5e: {  	_ =	shalt  }
0x5f: {  	_ =	shalt  }
0x60: {  	_ =	shalt  }
0x61: {  	_ =	shalt  }
0x62: {  	_ =	shalt  }
0x63: {  	_ =	shalt  }
0x64: {  	_ =	shalt  }
0x65: {  	_ =	shalt  }
0x66: {  	_ =	shalt  }
0x67: {  	_ =	shalt  }
0x68: {  	_ =	shalt  }
0x69: {  	_ =	shalt  }
0x6a: {  	_ =	shalt  }
0x6b: {  	_ =	shalt  }
0x6c: {  	_ =	shalt  }
0x6d: {  	_ =	shalt  }
0x6e: {  	_ =	shalt  }
0x6f: {  	_ =	shalt  }
0x70: {  	_ =	shalt  }
0x71: {  	_ =	shalt  }
0x72: {  	_ =	shalt  }
0x73: {  	_ =	shalt  }
0x74: {  	_ =	shalt  }
0x75: {  	_ =	shalt  }
0x76: {  	_ =	shalt  }
0x77: {  	_ =	shalt  }
0x78: {  	_ =	shalt  }
0x79: {  	_ =	shalt  }
0x7a: {  	_ =	shalt  }
0x7b: {  	_ =	shalt  }
0x7c: {  	_ =	shalt  }
0x7d: {  	_ =	shalt  }
0x7e: {  	_ =	shalt  }
0x7f: {  	_ =	shalt  }
0x80: {  	_ =	shalt  }
0x81: {  	_ =	shalt  }
0x82: {  	_ =	shalt  }
0x83: {  	_ =	shalt  }
0x84: {  	_ =	shalt  }
0x85: {  	_ =	shalt  }
0x86: {  	_ =	shalt  }
0x87: {  	_ =	shalt  }
.Lfunc_end0:
.L_simem_size_0:
called_computation_lowered:
.L_overlay_start_0:
0x88: {  	s2 =	sld [smem:$0x3FD9]  }
0x89: {  	s3 =	sld [smem:$0x3FFE];
	_ =	sdelay $0x1  }
0x8a: {  	s1 =	srdreg.scid  }
0x8b: {  	s0 =	sand.u32 $0x1, s1  }
0x8c: {  	s14 =	sshll.u32 s0, $0xA;
	s2 =	sadd.s32 s3, s2  }
0x8d: {  	s2 =	sadd.s32 s2, s14  }
0x8e: {  	[smem:$0x3FC6] =	sst s2  }
0x8f: {  	_ = 	snop  }
0x90: {  	s2 =	sld [smem:$0x3FD0];
	_ =	sdelay $0x2  }
0x91: {  	s4 =	simm.s32 $0xA;
	s5 =	simm.s32 $0x10;
	s15 =	sld [smem:$0x3FC8]  }
0x92: {  	[smem:s5], [sflag:s4] =	dma.local [hbm:s2], $0x1  }
0x93: {  	_ =	swait.eq [sflag:s4], $0x1  }
0x94: {  	[sflag:s4] =	ssyncset.done $0x0  }
0x95: {  	[sflag:s4] =	ssyncadd.s32 $0xFFFFFFFF  }
0x96: {  	s16 =	sld [smem:$0x10];
	(tm) =	ssettm $0x1  }
0x97: {  	s17 =	sld [smem:$0x3FFB];
	_ =	sdelay $0x3  }
0x98: {  	_ =	strace s17  }
0x99: {  	s4 =	sld [smem:$0x3FFC];
	_ =	sdelay $0x3  }
0x9a: {  	_ =	strace s4  }
0x9b: {  	s4 =	sld [smem:$0x3FFD];
	_ =	sdelay $0x3  }
0x9c: {  	_ =	strace s4  }
0x9d: {  	_ =	strace $0x8FFFFFFF  }
0x9e: {  	s18 =	sld [smem:$0x3FDB];
	_ =	sdelay $0x1  }
0x9f: {  	s19 =	simm.s32 $_scs_section_size  }
0xa0: {  	s6 =	simm.s32 $_size__tile_overlayer_lowered;
	s7 =	simm.s32 $_tile_overlayer_lowered  }
0xa1: {  	s22 =	simm.s32 $0x1BFF;
	s21 =	sshll.u32 s7, $0x1;
	s4 =	sadd.s32 s19, s18  }
0xa2: {  	s8 =	simm.s32 $0x0;
	s20 =	sshll.u32 s6, $0x1;
	s6 =	sadd.s32 s21, s4  }
0xa3: {  	[timem:s8], [sflag:s22] =	dma.local [hbm:s6], s20  }
0xa4: {  	_ =	swait.ge [sflag:s22], s20  }
0xa5: {  	s5 =	ssub.s32 $0x0, s20;
	[sflag:s22] =	ssyncset.done $0x0  }
0xa6: {  	[sflag:s22] =	ssyncadd.s32 s5;
	_ =	sdelay $0x1  }
0xa7: {  	s23 =	simm.s32 $0x1B8B  }
0xa8: {  	_ =	swait.ge [sflag:s23], $0x1  }
0xa9: {  	[sflag:s23] =	ssyncset.done $0x0  }
0xaa: {  	s25 =	simm.s32 $0x1B8E;
	s24 =	sld [smem:$0x3FFE];
	[sflag:s23] =	ssyncadd.s32 $0xFFFFFFFF  }
0xab: {  	s26 =	simm.s32 $execute0_lowered;
	[smem:$0x3FD2] =	sst s25  }
0xac: {  	s6 =	sshll.u32 s26, $0x1;
	_ =	strace $0x80000046;
	[dreg:$0x1] =	wrdreg $0xFFFFFFFF  }
0xad: {  	s28 =	simm.s32 $_size_execute0_lowered;
	s4 =	sadd.s32 s4, s6;
	[dreg:$0x0] =	wrdreg $0x0  }
0xae: {  	s6 =	sshll.u32 s28, $0x1;
	[dreg:$0x2] =	wrdreg s4  }
0xaf: {  	[dreg:$0x3] =	wrdreg s6  }
0xb0: {  	[dreg:$0x4] =	wrdreg $0xC0  }
0xb1: {  	_ =	task [dreg:s8], $0x5FFFF  }
0xb2: {  	[dreg:$0x1] =	wrdreg $0xFFFFFFFF  }
0xb3: {  	[dreg:$0x0] =	wrdreg $0x60  }
0xb4: {  	[dreg:$0x2] =	wrdreg s15  }
0xb5: {  	[dreg:$0x3] =	wrdreg s24  }
0xb6: {  	[dreg:$0x4] =	wrdreg s16  }
0xb7: {  	[dreg:$0x5] =	wrdreg $0x9  }
0xb8: {  	_ =	task.clear_ibuf [dreg:s8], $0x6FFFF;
	_ =	strace $0x90000046  }
0xb9: {  	s29 =	simm.s32 $0x9;
	_ =	strace $0x80000048  }
0xba: {  	_ =	swait.ge [sflag:s29], $0x1  }
0xbb: {  	[sflag:s29] =	ssyncadd.s32 $0xFFFFFFFF  }
0xbc: {  	_ =	strace $0x90000048  }
0xbd: {  	_ =	sfence  }
0xbe: {  	s30 =	sld [smem:$0x0];
	_ =	sdelay $0x2  }
0xbf: {  	s31 =	sshll.u32 s1, $0xD;
	s1 =	sshrl.u32 s1, $0x2  }
0xc0: {  	s3 =	sand.u32 $0x4000, s31;
	s1 =	sadd.s32 s1, s30  }
0xc1: {  	s0 =	sor.u32 s3, s0;
	s1 =	sshll.u32 s1, $0x11  }
0xc2: {  	s0 =	sor.u32 s1, s0  }
0xc3: {  	s0 =	sadd.s32 $0x8F2B, s0  }
0xc4: {  	[sflag:s0] =	ssyncadd.remote.s32 $0x1  }
0xc5: {  	_ =	sfence.sel $0xFFFF  }
0xc6: {  	[dreg:$0x0] =	wrdreg $0xFFFFFFFF;
	(pc) =	sbr.abs _section_cstart, $3  }
0xc7: {  	[dreg:$0x1] =	wrdreg $0xFFFFFFFF  }
0xc8: {  	_ =	task.clear_ibuf [dreg:s8], $0x2FFFF;
	_ =	strace $0x9FFFFFFF  }
0xc9: {  	(tm) =	ssettm $0x7FFFFFFF  }
tec
execute0_lowered:
.L_overlay_start_1:
0x0: {  	(tag) =	ssettag $0x1  }
0x1: {  	s1 =	rddreg [dreg:$0x0]  }
0x2: {  	s2 =	rddreg [dreg:$0x1]  }
0x3: {  	s0 =	rddreg [dreg:$0x2];
	s3 =	srdreg.scid  }
0x4: {  	s5 =	stileid.u32;
	s31 =	simm.s32 $0x100;
	s4 =	sand.u32 $0x1, s3  }
0x5: {  	s3 =	simm.s32 $0x0;
	s5 =	sshll.u32 s5, $0xB;
	s6 =	sshll.u32 s4, $0xA  }
0x6: {  	s2 =	sadd.s32 $0x400, s2;
	[smem:$0x7FF] =	sst s3;
	s5 =	sor.u32 s6, s5  }
0x7: {  	s4 =	ssub.s32 $0x2, s4;
	_ =	strace $0x80000047;
	s6 =	sshrl.u32 s5, $0x3  }
0x8: {  	s7 =	sor.u32 $0x80, s5;
	s24 =	sshll.u32 s5, $0x5;
	s26 =	sor.u32 $0x100, s5  }
0x9: {  	s9 =	sor.u32 $0x180, s5;
	s13 =	sor.u32 $0x200, s5;
	s16 =	sor.u32 $0x280, s5  }
0xa: {  	s21 =	sor.u32 $0x300, s5;
	s5 =	sor.u32 $0x380, s5;
	s6 =	sadd.s32 s2, s6  }
0xb: {  	s8 =	sshrl.u32 s7, $0x3;
	s25 =	sadd.s32 s0, s24;
	s28 =	sshrl.u32 s26, $0x3  }
0xc: {  	s7 =	sshll.u32 s7, $0x5;
	s30 =	sshrl.u32 s9, $0x3;
	s11 =	sshll.u32 s26, $0x5  }
0xd: {  	s14 =	sshrl.u32 s13, $0x3;
	s15 =	sshll.u32 s9, $0x5;
	[dreg:$0x4] =	wrdreg s6  }
0xe: {  	s18 =	sshrl.u32 s16, $0x3;
	s23 =	sadd.s32 s2, s8;
	[dreg:$0x6] =	wrdreg s25  }
0xf: {  	s22 =	sshrl.u32 s21, $0x3;
	s6 =	sadd.s32 s2, s28;
	[dreg:$0x5] =	wrdreg s23  }
0x10: {  	s26 =	sshll.u32 s21, $0x5;
	s29 =	sadd.s32 s0, s7;
	[dreg:$0x7] =	wrdreg s6  }
0x11: {  	s10 =	sadd.s32 s2, s30;
	s12 =	sadd.s32 s0, s11;
	[dreg:$0x8] =	wrdreg s29  }
0x12: {  	s17 =	sadd.s32 s0, s15;
	s19 =	sadd.s32 s2, s18;
	[dreg:$0x9] =	wrdreg s10  }
0x13: {  	s7 =	sshll.u32 s13, $0x5;
	s25 =	sshrl.u32 s5, $0x3;
	[dreg:$0xa] =	wrdreg s12  }
0x14: {  	s28 =	sadd.s32 s0, s26;
	s5 =	sshll.u32 s5, $0x5;
	[dreg:$0xc] =	wrdreg s17  }
0x15: {  	s13 =	simm.s32 $0x1;
	s15 =	simm.s32 $0x2;
	[dreg:$0xd] =	wrdreg s19  }
0x16: {  	s6 =	sadd.s32 s2, s14;
	s20 =	sadd.s32 s0, s7;
	[dreg:$0x12] =	wrdreg s28  }
0x17: {  	s23 =	sshll.u32 s16, $0x5;
	s29 =	sshrl.u32 s4, $0x1;
	[dreg:$0xb] =	wrdreg s6  }
0x18: {  	s14 =	simm.s32 $0x3;
	[dreg:$0xe] =	wrdreg s20;
	s6 =	sadd.s32 s2, s22  }
0x19: {  	s16 =	simm.s32 $0x4;
	s24 =	sadd.s32 s0, s23;
	[dreg:$0xf] =	wrdreg s6  }
0x1a: {  	v2 =	vlaneseq.u32;
	s2 =	sadd.s32 s2, s25;
	s0 =	sadd.s32 s0, s5;
	[dreg:$0x10] =	wrdreg s24  }
0x1b: {  	vm0 =	vmmov $0xffff;
	v1 =	vshrl.u32 v2, $0x3;
	s30 =	ssub.s32 s4, s29;
	s5 =	simm.s32 $0x5;
	[dreg:$0x11] =	wrdreg s2  }
0x1c: {  	v0 =	vand.u32 $0x7, v2;
	v2 =	vor.u32 $0x8, v2;
	v1 =	vmul.u32 $0x8, v1;
	s23 =	simm.s32 $0x8100;
	[dreg:$0x13] =	wrdreg s0;
	s4 =	smax.u32 s30, $0x1  }
.LBB2_1:
0x1d: {  	s17 =	rddreg [dreg:$0x4]  }
0x1e: {  	[tilespmem:s3], [sflag:$0x5] =	stream.linear.gather [hbm4b:s17+s3], $0x80, $0x38;
	[tilespmem:$0x10100] =	vst v63  }
0x1f: {  	_ =	swait.ge [sflag:s5], $0x80  }
0x20: {  	[sflag:s5] =	ssyncset.done $0x0  }
0x21: {  	[sflag:s5] =	ssyncadd.s32 $0xFFFFFF80  }
0x22: {  	v3 =	vld [tilespmem:$0x0];
	_ =	sdelay $0x4  }
0x23: {  	v4 =	vshll.u32 v3, $0x1  }
0x24: {  	v3 =	vand.u32 $0x7, v3;
	v4 =	vand.u32 $0xFFFFFFF0, v4  }
0x25: {  	v3 =	vor.u32 v3, v4  }
0x26: {  	v4 =	vperm.xlane v3, v0;
	_ =	sdelay $0x1  }
0x27: {  	v3 =	vperm.xlane v3, v2;
	v4 =	vadd.s32 v1, v4;
	_ =	sdelay $0x1  }
0x28: {  	v3 =	vadd.s32 v1, v3;
	_ =	sdelay $0x2  }
0x29: {  	[tilespmem:s31], [sflag:$0x1] =	stream.indirect_vreg.gather [hbm4b:s1+s3], $0x80, v4, vm0, $0xb8;
	[tilespmem:$0x10100] =	vst v63  }
0x2a: {  	s0 =	simm.s32 $0x900  }
0x2b: {  	[tilespmem:s0], [sflag:$0x1] =	stream.indirect_vreg.gather [hbm4b:s1+s3], $0x80, v3, vm0, $0xb8;
	[tilespmem:$0x10100] =	vst v63  }
0x2c: {  	v3 =	vld [tilespmem:$0x10];
	_ =	sdelay $0x4  }
0x2d: {  	v57 =	vshll.u32 v3, $0x1  }
0x2e: {  	v3 =	vand.u32 $0x7, v3;
	v4 =	vand.u32 $0xFFFFFFF0, v57  }
0x2f: {  	v3 =	vor.u32 v3, v4  }
0x30: {  	v4 =	vperm.xlane v3, v0;
	_ =	sdelay $0x1  }
0x31: {  	v3 =	vperm.xlane v3, v2;
	v4 =	vadd.s32 v1, v4;
	_ =	sdelay $0x1  }
0x32: {  	v3 =	vadd.s32 v1, v3;
	_ =	sdelay $0x1  }
0x33: {  	s12 =	simm.s32 $0x1100  }
0x34: {  	[tilespmem:s12], [sflag:$0x1] =	stream.indirect_vreg.gather [hbm4b:s1+s3], $0x80, v4, vm0, $0xb8;
	[tilespmem:$0x10100] =	vst v63  }
0x35: {  	s17 =	simm.s32 $0x1900  }
0x36: {  	[tilespmem:s17], [sflag:$0x1] =	stream.indirect_vreg.gather [hbm4b:s1+s3], $0x80, v3, vm0, $0xb8;
	[tilespmem:$0x10100] =	vst v63  }
0x37: {  	v3 =	vld [tilespmem:$0x20];
	_ =	sdelay $0x4  }
0x38: {  	v58 =	vshll.u32 v3, $0x1  }
0x39: {  	v3 =	vand.u32 $0x7, v3;
	v4 =	vand.u32 $0xFFFFFFF0, v58  }
0x3a: {  	v3 =	vor.u32 v3, v4  }
0x3b: {  	v4 =	vperm.xlane v3, v0;
	_ =	sdelay $0x1  }
0x3c: {  	v3 =	vperm.xlane v3, v2;
	v4 =	vadd.s32 v1, v4;
	_ =	sdelay $0x1  }
0x3d: {  	v3 =	vadd.s32 v1, v3;
	_ =	sdelay $0x1  }
0x3e: {  	s18 =	simm.s32 $0x2100  }
0x3f: {  	[tilespmem:s18], [sflag:$0x1] =	stream.indirect_vreg.gather [hbm4b:s1+s3], $0x80, v4, vm0, $0xb8;
	[tilespmem:$0x10100] =	vst v63  }
0x40: {  	s19 =	simm.s32 $0x2900  }
0x41: {  	[tilespmem:s19], [sflag:$0x1] =	stream.indirect_vreg.gather [hbm4b:s1+s3], $0x80, v3, vm0, $0xb8;
	[tilespmem:$0x10100] =	vst v63  }
0x42: {  	v3 =	vld [tilespmem:$0x30];
	_ =	sdelay $0x4  }
0x43: {  	v59 =	vshll.u32 v3, $0x1  }
0x44: {  	v3 =	vand.u32 $0x7, v3;
	v4 =	vand.u32 $0xFFFFFFF0, v59  }
0x45: {  	v3 =	vor.u32 v3, v4  }
0x46: {  	v4 =	vperm.xlane v3, v0;
	_ =	sdelay $0x1  }
0x47: {  	v3 =	vperm.xlane v3, v2;
	v4 =	vadd.s32 v1, v4;
	_ =	sdelay $0x1  }
0x48: {  	v3 =	vadd.s32 v1, v3;
	_ =	sdelay $0x1  }
0x49: {  	s20 =	simm.s32 $0x3100  }
0x4a: {  	[tilespmem:s20], [sflag:$0x1] =	stream.indirect_vreg.gather [hbm4b:s1+s3], $0x80, v4, vm0, $0xb8;
	[tilespmem:$0x10100] =	vst v63  }
0x4b: {  	s21 =	simm.s32 $0x3900  }
0x4c: {  	[tilespmem:s21], [sflag:$0x1] =	stream.indirect_vreg.gather [hbm4b:s1+s3], $0x80, v3, vm0, $0xb8;
	[tilespmem:$0x10100] =	vst v63  }
0x4d: {  	v3 =	vld [tilespmem:$0x40];
	_ =	sdelay $0x4  }
0x4e: {  	v60 =	vshll.u32 v3, $0x1  }
0x4f: {  	v3 =	vand.u32 $0x7, v3;
	v4 =	vand.u32 $0xFFFFFFF0, v60  }
0x50: {  	v3 =	vor.u32 v3, v4  }
0x51: {  	v4 =	vperm.xlane v3, v0;
	_ =	sdelay $0x1  }
0x52: {  	v3 =	vperm.xlane v3, v2;
	v4 =	vadd.s32 v1, v4;
	_ =	sdelay $0x1  }
0x53: {  	v3 =	vadd.s32 v1, v3;
	_ =	sdelay $0x1  }
0x54: {  	s22 =	simm.s32 $0x4100  }
0x55: {  	[tilespmem:s22], [sflag:$0x1] =	stream.indirect_vreg.gather [hbm4b:s1+s3], $0x80, v4, vm0, $0xb8;
	[tilespmem:$0x10100] =	vst v63  }
0x56: {  	s24 =	simm.s32 $0x4900  }
0x57: {  	[tilespmem:s24], [sflag:$0x1] =	stream.indirect_vreg.gather [hbm4b:s1+s3], $0x80, v3, vm0, $0xb8;
	[tilespmem:$0x10100] =	vst v63  }
0x58: {  	v3 =	vld [tilespmem:$0x50];
	_ =	sdelay $0x4  }
0x59: {  	v61 =	vshll.u32 v3, $0x1  }
0x5a: {  	v3 =	vand.u32 $0x7, v3;
	v4 =	vand.u32 $0xFFFFFFF0, v61  }
0x5b: {  	v3 =	vor.u32 v3, v4  }
0x5c: {  	v4 =	vperm.xlane v3, v0;
	_ =	sdelay $0x1  }
0x5d: {  	v3 =	vperm.xlane v3, v2;
	v4 =	vadd.s32 v1, v4;
	_ =	sdelay $0x1  }
0x5e: {  	v3 =	vadd.s32 v1, v3;
	_ =	sdelay $0x1  }
0x5f: {  	s25 =	simm.s32 $0x5100  }
0x60: {  	[tilespmem:s25], [sflag:$0x1] =	stream.indirect_vreg.gather [hbm4b:s1+s3], $0x80, v4, vm0, $0xb8;
	[tilespmem:$0x10100] =	vst v63  }
0x61: {  	s26 =	simm.s32 $0x5900  }
0x62: {  	[tilespmem:s26], [sflag:$0x1] =	stream.indirect_vreg.gather [hbm4b:s1+s3], $0x80, v3, vm0, $0xb8;
	[tilespmem:$0x10100] =	vst v63  }
0x63: {  	v3 =	vld [tilespmem:$0x60];
	_ =	sdelay $0x4  }
0x64: {  	v62 =	vshll.u32 v3, $0x1  }
0x65: {  	v3 =	vand.u32 $0x7, v3;
	v4 =	vand.u32 $0xFFFFFFF0, v62  }
0x66: {  	v3 =	vor.u32 v3, v4  }
0x67: {  	v4 =	vperm.xlane v3, v0;
	_ =	sdelay $0x1  }
0x68: {  	v3 =	vperm.xlane v3, v2;
	v4 =	vadd.s32 v1, v4;
	_ =	sdelay $0x1  }
0x69: {  	v3 =	vadd.s32 v1, v3;
	_ =	sdelay $0x1  }
0x6a: {  	s28 =	simm.s32 $0x6100  }
0x6b: {  	[tilespmem:s28], [sflag:$0x1] =	stream.indirect_vreg.gather [hbm4b:s1+s3], $0x80, v4, vm0, $0xb8;
	[tilespmem:$0x10100] =	vst v63  }
0x6c: {  	s29 =	simm.s32 $0x6900  }
0x6d: {  	[tilespmem:s29], [sflag:$0x1] =	stream.indirect_vreg.gather [hbm4b:s1+s3], $0x80, v3, vm0, $0xb8;
	[tilespmem:$0x10100] =	vst v63  }
0x6e: {  	v3 =	vld [tilespmem:$0x70];
	_ =	sdelay $0x4  }
0x6f: {  	v63 =	vshll.u32 v3, $0x1  }
0x70: {  	v3 =	vand.u32 $0x7, v3;
	v4 =	vand.u32 $0xFFFFFFF0, v63  }
0x71: {  	v3 =	vor.u32 v3, v4  }
0x72: {  	v4 =	vperm.xlane v3, v0;
	_ =	sdelay $0x1  }
0x73: {  	v3 =	vperm.xlane v3, v2;
	v4 =	vadd.s32 v1, v4;
	_ =	sdelay $0x1  }
0x74: {  	v3 =	vadd.s32 v1, v3;
	_ =	sdelay $0x1  }
0x75: {  	s30 =	simm.s32 $0x7100  }
0x76: {  	[tilespmem:s30], [sflag:$0x1] =	stream.indirect_vreg.gather [hbm4b:s1+s3], $0x80, v4, vm0, $0xb8;
	[tilespmem:$0x10100] =	vst v63  }
0x77: {  	s18 =	simm.s32 $0x7900  }
0x78: {  	[tilespmem:s18], [sflag:$0x1] =	stream.indirect_vreg.gather [hbm4b:s1+s3], $0x80, v3, vm0, $0xb8;
	[tilespmem:$0x10100] =	vst v63  }
0x79: {  	s11 =	rddreg [dreg:$0x5];
	s19 =	simm.s32 $0x80  }
0x7a: {  	[tilespmem:s19], [sflag:$0x5] =	stream.linear.gather [hbm4b:s11+s3], $0x80, $0x38;
	[tilespmem:$0x10100] =	vst v63  }
0x7b: {  	_ =	swait.ge [sflag:s5], $0x80  }
0x7c: {  	[sflag:s5] =	ssyncset.done $0x0  }
0x7d: {  	[sflag:s5] =	ssyncadd.s32 $0xFFFFFF80  }
0x7e: {  	v3 =	vld [tilespmem:$0x80];
	_ =	sdelay $0x4  }
0x7f: {  	v8 =	vshll.u32 v3, $0x1  }
0x80: {  	v3 =	vand.u32 $0x7, v3;
	v4 =	vand.u32 $0xFFFFFFF0, v8  }
0x81: {  	v3 =	vor.u32 v3, v4  }
0x82: {  	v4 =	vperm.xlane v3, v0;
	_ =	sdelay $0x1  }
0x83: {  	v3 =	vperm.xlane v3, v2;
	v4 =	vadd.s32 v1, v4;
	_ =	sdelay $0x1  }
0x84: {  	v3 =	vadd.s32 v1, v3;
	_ =	sdelay $0x2  }
0x85: {  	[tilespmem:s23], [sflag:$0x2] =	stream.indirect_vreg.gather [hbm4b:s1+s3], $0x80, v4, vm0, $0xb8;
	[tilespmem:$0x10100] =	vst v63  }
0x86: {  	s20 =	simm.s32 $0x8900  }
0x87: {  	[tilespmem:s20], [sflag:$0x2] =	stream.indirect_vreg.gather [hbm4b:s1+s3], $0x80, v3, vm0, $0xb8;
	[tilespmem:$0x10100] =	vst v63  }
0x88: {  	v3 =	vld [tilespmem:$0x90];
	_ =	sdelay $0x4  }
0x89: {  	v9 =	vshll.u32 v3, $0x1  }
0x8a: {  	v3 =	vand.u32 $0x7, v3;
	v4 =	vand.u32 $0xFFFFFFF0, v9  }
0x8b: {  	v3 =	vor.u32 v3, v4  }
0x8c: {  	v4 =	vperm.xlane v3, v0;
	_ =	sdelay $0x1  }
0x8d: {  	v3 =	vperm.xlane v3, v2;
	v4 =	vadd.s32 v1, v4;
	_ =	sdelay $0x1  }
0x8e: {  	v3 =	vadd.s32 v1, v3;
	_ =	sdelay $0x1  }
0x8f: {  	s21 =	simm.s32 $0x9100  }
0x90: {  	[tilespmem:s21], [sflag:$0x2] =	stream.indirect_vreg.gather [hbm4b:s1+s3], $0x80, v4, vm0, $0xb8;
	[tilespmem:$0x10100] =	vst v63  }
0x91: {  	s22 =	simm.s32 $0x9900  }
0x92: {  	[tilespmem:s22], [sflag:$0x2] =	stream.indirect_vreg.gather [hbm4b:s1+s3], $0x80, v3, vm0, $0xb8;
	[tilespmem:$0x10100] =	vst v63  }
0x93: {  	v3 =	vld [tilespmem:$0xA0];
	_ =	sdelay $0x4  }
0x94: {  	v10 =	vshll.u32 v3, $0x1  }
0x95: {  	v3 =	vand.u32 $0x7, v3;
	v4 =	vand.u32 $0xFFFFFFF0, v10  }
0x96: {  	v3 =	vor.u32 v3, v4  }
0x97: {  	v4 =	vperm.xlane v3, v0;
	_ =	sdelay $0x1  }
0x98: {  	v3 =	vperm.xlane v3, v2;
	v4 =	vadd.s32 v1, v4;
	_ =	sdelay $0x1  }
0x99: {  	v3 =	vadd.s32 v1, v3;
	_ =	sdelay $0x1  }
0x9a: {  	s24 =	simm.s32 $0xA100  }
0x9b: {  	[tilespmem:s24], [sflag:$0x2] =	stream.indirect_vreg.gather [hbm4b:s1+s3], $0x80, v4, vm0, $0xb8;
	[tilespmem:$0x10100] =	vst v63  }
0x9c: {  	s25 =	simm.s32 $0xA900  }
0x9d: {  	[tilespmem:s25], [sflag:$0x2] =	stream.indirect_vreg.gather [hbm4b:s1+s3], $0x80, v3, vm0, $0xb8;
	[tilespmem:$0x10100] =	vst v63  }
0x9e: {  	v3 =	vld [tilespmem:$0xB0];
	_ =	sdelay $0x4  }
0x9f: {  	v11 =	vshll.u32 v3, $0x1  }
0xa0: {  	v3 =	vand.u32 $0x7, v3;
	v4 =	vand.u32 $0xFFFFFFF0, v11  }
0xa1: {  	v3 =	vor.u32 v3, v4  }
0xa2: {  	v4 =	vperm.xlane v3, v0;
	_ =	sdelay $0x1  }
0xa3: {  	v3 =	vperm.xlane v3, v2;
	v4 =	vadd.s32 v1, v4;
	_ =	sdelay $0x1  }
0xa4: {  	v3 =	vadd.s32 v1, v3;
	_ =	sdelay $0x1  }
0xa5: {  	s26 =	simm.s32 $0xB100  }
0xa6: {  	[tilespmem:s26], [sflag:$0x2] =	stream.indirect_vreg.gather [hbm4b:s1+s3], $0x80, v4, vm0, $0xb8;
	[tilespmem:$0x10100] =	vst v63  }
0xa7: {  	s28 =	simm.s32 $0xB900  }
0xa8: {  	[tilespmem:s28], [sflag:$0x2] =	stream.indirect_vreg.gather [hbm4b:s1+s3], $0x80, v3, vm0, $0xb8;
	[tilespmem:$0x10100] =	vst v63  }
0xa9: {  	v3 =	vld [tilespmem:$0xC0];
	_ =	sdelay $0x4  }
0xaa: {  	v12 =	vshll.u32 v3, $0x1  }
0xab: {  	v3 =	vand.u32 $0x7, v3;
	v4 =	vand.u32 $0xFFFFFFF0, v12  }
0xac: {  	v3 =	vor.u32 v3, v4  }
0xad: {  	v4 =	vperm.xlane v3, v0;
	_ =	sdelay $0x1  }
0xae: {  	v3 =	vperm.xlane v3, v2;
	v4 =	vadd.s32 v1, v4;
	_ =	sdelay $0x1  }
0xaf: {  	v3 =	vadd.s32 v1, v3;
	_ =	sdelay $0x1  }
0xb0: {  	s30 =	simm.s32 $0xC100  }
0xb1: {  	[tilespmem:s30], [sflag:$0x2] =	stream.indirect_vreg.gather [hbm4b:s1+s3], $0x80, v4, vm0, $0xb8;
	[tilespmem:$0x10100] =	vst v63  }
0xb2: {  	s0 =	simm.s32 $0xC900  }
0xb3: {  	[tilespmem:s0], [sflag:$0x2] =	stream.indirect_vreg.gather [hbm4b:s1+s3], $0x80, v3, vm0, $0xb8;
	[tilespmem:$0x10100] =	vst v63  }
0xb4: {  	v3 =	vld [tilespmem:$0xD0];
	_ =	sdelay $0x4  }
0xb5: {  	v13 =	vshll.u32 v3, $0x1  }
0xb6: {  	v3 =	vand.u32 $0x7, v3;
	v4 =	vand.u32 $0xFFFFFFF0, v13  }
0xb7: {  	v3 =	vor.u32 v3, v4  }
0xb8: {  	v4 =	vperm.xlane v3, v0;
	_ =	sdelay $0x1  }
0xb9: {  	v3 =	vperm.xlane v3, v2;
	v4 =	vadd.s32 v1, v4;
	_ =	sdelay $0x1  }
0xba: {  	v3 =	vadd.s32 v1, v3;
	_ =	sdelay $0x1  }
0xbb: {  	s11 =	simm.s32 $0xD100  }
0xbc: {  	[tilespmem:s11], [sflag:$0x2] =	stream.indirect_vreg.gather [hbm4b:s1+s3], $0x80, v4, vm0, $0xb8;
	[tilespmem:$0x10100] =	vst v63  }
0xbd: {  	s18 =	simm.s32 $0xD900  }
0xbe: {  	[tilespmem:s18], [sflag:$0x2] =	stream.indirect_vreg.gather [hbm4b:s1+s3], $0x80, v3, vm0, $0xb8;
	[tilespmem:$0x10100] =	vst v63  }
0xbf: {  	v3 =	vld [tilespmem:$0xE0];
	_ =	sdelay $0x4  }
0xc0: {  	v14 =	vshll.u32 v3, $0x1  }
0xc1: {  	v3 =	vand.u32 $0x7, v3;
	v4 =	vand.u32 $0xFFFFFFF0, v14  }
0xc2: {  	v3 =	vor.u32 v3, v4  }
0xc3: {  	v4 =	vperm.xlane v3, v0;
	_ =	sdelay $0x1  }
0xc4: {  	v3 =	vperm.xlane v3, v2;
	v4 =	vadd.s32 v1, v4;
	_ =	sdelay $0x1  }
0xc5: {  	v3 =	vadd.s32 v1, v3;
	_ =	sdelay $0x1  }
0xc6: {  	s19 =	simm.s32 $0xE100  }
0xc7: {  	[tilespmem:s19], [sflag:$0x2] =	stream.indirect_vreg.gather [hbm4b:s1+s3], $0x80, v4, vm0, $0xb8;
	[tilespmem:$0x10100] =	vst v63  }
0xc8: {  	s21 =	simm.s32 $0xE900  }
0xc9: {  	[tilespmem:s21], [sflag:$0x2] =	stream.indirect_vreg.gather [hbm4b:s1+s3], $0x80, v3, vm0, $0xb8;
	[tilespmem:$0x10100] =	vst v63  }
0xca: {  	v3 =	vld [tilespmem:$0xF0];
	_ =	sdelay $0x4  }
0xcb: {  	v15 =	vshll.u32 v3, $0x1  }
0xcc: {  	v3 =	vand.u32 $0x7, v3;
	v4 =	vand.u32 $0xFFFFFFF0, v15  }
0xcd: {  	v3 =	vor.u32 v3, v4  }
0xce: {  	v4 =	vperm.xlane v3, v0;
	_ =	sdelay $0x1  }
0xcf: {  	v3 =	vperm.xlane v3, v2;
	v4 =	vadd.s32 v1, v4;
	_ =	sdelay $0x1  }
0xd0: {  	v3 =	vadd.s32 v1, v3;
	_ =	sdelay $0x1  }
0xd1: {  	s22 =	simm.s32 $0xF100  }
0xd2: {  	[tilespmem:s22], [sflag:$0x2] =	stream.indirect_vreg.gather [hbm4b:s1+s3], $0x80, v4, vm0, $0xb8;
	[tilespmem:$0x10100] =	vst v63  }
0xd3: {  	s26 =	simm.s32 $0xF900  }
0xd4: {  	[tilespmem:s26], [sflag:$0x2] =	stream.indirect_vreg.gather [hbm4b:s1+s3], $0x80, v3, vm0, $0xb8;
	[tilespmem:$0x10100] =	vst v63  }
0xd5: {  	_ =	swait.ge [sflag:s13], $0x8000  }
0xd6: {  	[sflag:s13] =	ssyncset.done $0x0  }
0xd7: {  	s30 =	rddreg [dreg:$0x6];
	[sflag:s13] =	ssyncadd.s32 $0xFFFF8000  }
0xd8: {  	[hbm4b:s30+s3] =	stream.linear.scatter [tilespmem:s31], [sflag:$0x3], $0x8000, $0x38;
	[tilespmem:$0x10100] =	vst v63  }
0xd9: {  	_ =	swait.ge [sflag:s14], $0x8000  }
0xda: {  	[sflag:s14] =	ssyncset.done $0x0  }
0xdb: {  	s0 =	rddreg [dreg:$0x7];
	[sflag:s14] =	ssyncadd.s32 $0xFFFF8000  }
0xdc: {  	[tilespmem:s3], [sflag:$0x5] =	stream.linear.gather [hbm4b:s0+s3], $0x80, $0x38;
	[tilespmem:$0x10100] =	vst v63  }
0xdd: {  	_ =	swait.ge [sflag:s5], $0x80  }
0xde: {  	[sflag:s5] =	ssyncset.done $0x0  }
0xdf: {  	[sflag:s5] =	ssyncadd.s32 $0xFFFFFF80  }
0xe0: {  	v3 =	vld [tilespmem:$0x0];
	_ =	sdelay $0x4  }
0xe1: {  	v16 =	vshll.u32 v3, $0x1  }
0xe2: {  	v3 =	vand.u32 $0x7, v3;
	v4 =	vand.u32 $0xFFFFFFF0, v16  }
0xe3: {  	v3 =	vor.u32 v3, v4  }
0xe4: {  	v4 =	vperm.xlane v3, v0;
	_ =	sdelay $0x1  }
0xe5: {  	v3 =	vperm.xlane v3, v2;
	v4 =	vadd.s32 v1, v4;
	_ =	sdelay $0x1  }
0xe6: {  	v3 =	vadd.s32 v1, v3;
	_ =	sdelay $0x2  }
0xe7: {  	[tilespmem:s31], [sflag:$0x1] =	stream.indirect_vreg.gather [hbm4b:s1+s3], $0x80, v4, vm0, $0xb8;
	[tilespmem:$0x10100] =	vst v63  }
0xe8: {  	s8 =	simm.s32 $0x900  }
0xe9: {  	[tilespmem:s8], [sflag:$0x1] =	stream.indirect_vreg.gather [hbm4b:s1+s3], $0x80, v3, vm0, $0xb8;
	[tilespmem:$0x10100] =	vst v63  }
0xea: {  	v3 =	vld [tilespmem:$0x10];
	_ =	sdelay $0x4  }
0xeb: {  	v17 =	vshll.u32 v3, $0x1  }
0xec: {  	v3 =	vand.u32 $0x7, v3;
	v4 =	vand.u32 $0xFFFFFFF0, v17  }
0xed: {  	v3 =	vor.u32 v3, v4  }
0xee: {  	v4 =	vperm.xlane v3, v0;
	_ =	sdelay $0x1  }
0xef: {  	v3 =	vperm.xlane v3, v2;
	v4 =	vadd.s32 v1, v4;
	_ =	sdelay $0x1  }
0xf0: {  	v3 =	vadd.s32 v1, v3;
	_ =	sdelay $0x1  }
0xf1: {  	s2 =	simm.s32 $0x1100  }
0xf2: {  	[tilespmem:s2], [sflag:$0x1] =	stream.indirect_vreg.gather [hbm4b:s1+s3], $0x80, v4, vm0, $0xb8;
	[tilespmem:$0x10100] =	vst v63  }
0xf3: {  	s9 =	simm.s32 $0x1900  }
0xf4: {  	[tilespmem:s9], [sflag:$0x1] =	stream.indirect_vreg.gather [hbm4b:s1+s3], $0x80, v3, vm0, $0xb8;
	[tilespmem:$0x10100] =	vst v63  }
0xf5: {  	v3 =	vld [tilespmem:$0x20];
	_ =	sdelay $0x4  }
0xf6: {  	v18 =	vshll.u32 v3, $0x1  }
0xf7: {  	v3 =	vand.u32 $0x7, v3;
	v4 =	vand.u32 $0xFFFFFFF0, v18  }
0xf8: {  	v3 =	vor.u32 v3, v4  }
0xf9: {  	v4 =	vperm.xlane v3, v0;
	_ =	sdelay $0x1  }
0xfa: {  	v3 =	vperm.xlane v3, v2;
	v4 =	vadd.s32 v1, v4;
	_ =	sdelay $0x1  }
0xfb: {  	v3 =	vadd.s32 v1, v3;
	_ =	sdelay $0x1  }
0xfc: {  	s6 =	simm.s32 $0x2100  }
0xfd: {  	[tilespmem:s6], [sflag:$0x1] =	stream.indirect_vreg.gather [hbm4b:s1+s3], $0x80, v4, vm0, $0xb8;
	[tilespmem:$0x10100] =	vst v63  }
0xfe: {  	s26 =	simm.s32 $0x2900  }
0xff: {  	[tilespmem:s26], [sflag:$0x1] =	stream.indirect_vreg.gather [hbm4b:s1+s3], $0x80, v3, vm0, $0xb8;
	[tilespmem:$0x10100] =	vst v63  }
0x100: {  	v3 =	vld [tilespmem:$0x30];
	_ =	sdelay $0x4  }
0x101: {  	v19 =	vshll.u32 v3, $0x1  }
0x102: {  	v3 =	vand.u32 $0x7, v3;
	v4 =	vand.u32 $0xFFFFFFF0, v19  }
0x103: {  	v3 =	vor.u32 v3, v4  }
0x104: {  	v4 =	vperm.xlane v3, v0;
	_ =	sdelay $0x1  }
0x105: {  	v3 =	vperm.xlane v3, v2;
	v4 =	vadd.s32 v1, v4;
	_ =	sdelay $0x1  }
0x106: {  	v3 =	vadd.s32 v1, v3;
	_ =	sdelay $0x1  }
0x107: {  	s7 =	simm.s32 $0x3100  }
0x108: {  	[tilespmem:s7], [sflag:$0x1] =	stream.indirect_vreg.gather [hbm4b:s1+s3], $0x80, v4, vm0, $0xb8;
	[tilespmem:$0x10100] =	vst v63  }
0x109: {  	s10 =	simm.s32 $0x3900  }
0x10a: {  	[tilespmem:s10], [sflag:$0x1] =	stream.indirect_vreg.gather [hbm4b:s1+s3], $0x80, v3, vm0, $0xb8;
	[tilespmem:$0x10100] =	vst v63  }
0x10b: {  	v3 =	vld [tilespmem:$0x40];
	_ =	sdelay $0x4  }
0x10c: {  	v20 =	vshll.u32 v3, $0x1  }
0x10d: {  	v3 =	vand.u32 $0x7, v3;
	v4 =	vand.u32 $0xFFFFFFF0, v20  }
0x10e: {  	v3 =	vor.u32 v3, v4  }
0x10f: {  	v4 =	vperm.xlane v3, v0;
	_ =	sdelay $0x1  }
0x110: {  	v3 =	vperm.xlane v3, v2;
	v4 =	vadd.s32 v1, v4;
	_ =	sdelay $0x1  }
0x111: {  	v3 =	vadd.s32 v1, v3;
	_ =	sdelay $0x1  }
0x112: {  	s8 =	simm.s32 $0x4100  }
0x113: {  	[tilespmem:s8], [sflag:$0x1] =	stream.indirect_vreg.gather [hbm4b:s1+s3], $0x80, v4, vm0, $0xb8;
	[tilespmem:$0x10100] =	vst v63  }
0x114: {  	s11 =	simm.s32 $0x4900  }
0x115: {  	[tilespmem:s11], [sflag:$0x1] =	stream.indirect_vreg.gather [hbm4b:s1+s3], $0x80, v3, vm0, $0xb8;
	[tilespmem:$0x10100] =	vst v63  }
0x116: {  	v3 =	vld [tilespmem:$0x50];
	_ =	sdelay $0x4  }
0x117: {  	v21 =	vshll.u32 v3, $0x1  }
0x118: {  	v3 =	vand.u32 $0x7, v3;
	v4 =	vand.u32 $0xFFFFFFF0, v21  }
0x119: {  	v3 =	vor.u32 v3, v4  }
0x11a: {  	v4 =	vperm.xlane v3, v0;
	_ =	sdelay $0x1  }
0x11b: {  	v3 =	vperm.xlane v3, v2;
	v4 =	vadd.s32 v1, v4;
	_ =	sdelay $0x1  }
0x11c: {  	v3 =	vadd.s32 v1, v3;
	_ =	sdelay $0x1  }
0x11d: {  	s9 =	simm.s32 $0x5100  }
0x11e: {  	[tilespmem:s9], [sflag:$0x1] =	stream.indirect_vreg.gather [hbm4b:s1+s3], $0x80, v4, vm0, $0xb8;
	[tilespmem:$0x10100] =	vst v63  }
0x11f: {  	s12 =	simm.s32 $0x5900  }
0x120: {  	[tilespmem:s12], [sflag:$0x1] =	stream.indirect_vreg.gather [hbm4b:s1+s3], $0x80, v3, vm0, $0xb8;
	[tilespmem:$0x10100] =	vst v63  }
0x121: {  	v3 =	vld [tilespmem:$0x60];
	_ =	sdelay $0x4  }
0x122: {  	v22 =	vshll.u32 v3, $0x1  }
0x123: {  	v3 =	vand.u32 $0x7, v3;
	v4 =	vand.u32 $0xFFFFFFF0, v22  }
0x124: {  	v3 =	vor.u32 v3, v4  }
0x125: {  	v4 =	vperm.xlane v3, v0;
	_ =	sdelay $0x1  }
0x126: {  	v3 =	vperm.xlane v3, v2;
	v4 =	vadd.s32 v1, v4;
	_ =	sdelay $0x1  }
0x127: {  	v3 =	vadd.s32 v1, v3;
	_ =	sdelay $0x1  }
0x128: {  	s10 =	simm.s32 $0x6100  }
0x129: {  	[tilespmem:s10], [sflag:$0x1] =	stream.indirect_vreg.gather [hbm4b:s1+s3], $0x80, v4, vm0, $0xb8;
	[tilespmem:$0x10100] =	vst v63  }
0x12a: {  	s12 =	simm.s32 $0x6900  }
0x12b: {  	[tilespmem:s12], [sflag:$0x1] =	stream.indirect_vreg.gather [hbm4b:s1+s3], $0x80, v3, vm0, $0xb8;
	[tilespmem:$0x10100] =	vst v63  }
0x12c: {  	v3 =	vld [tilespmem:$0x70];
	_ =	sdelay $0x4  }
0x12d: {  	v23 =	vshll.u32 v3, $0x1  }
0x12e: {  	v3 =	vand.u32 $0x7, v3;
	v4 =	vand.u32 $0xFFFFFFF0, v23  }
0x12f: {  	v3 =	vor.u32 v3, v4  }
0x130: {  	v4 =	vperm.xlane v3, v0;
	_ =	sdelay $0x1  }
0x131: {  	v3 =	vperm.xlane v3, v2;
	v4 =	vadd.s32 v1, v4;
	_ =	sdelay $0x1  }
0x132: {  	v3 =	vadd.s32 v1, v3;
	_ =	sdelay $0x1  }
0x133: {  	s18 =	simm.s32 $0x7100  }
0x134: {  	[tilespmem:s18], [sflag:$0x1] =	stream.indirect_vreg.gather [hbm4b:s1+s3], $0x80, v4, vm0, $0xb8;
	[tilespmem:$0x10100] =	vst v63  }
0x135: {  	s19 =	simm.s32 $0x7900  }
0x136: {  	[tilespmem:s19], [sflag:$0x1] =	stream.indirect_vreg.gather [hbm4b:s1+s3], $0x80, v3, vm0, $0xb8;
	[tilespmem:$0x10100] =	vst v63  }
0x137: {  	_ =	swait.ge [sflag:s15], $0x8000  }
0x138: {  	[sflag:s15] =	ssyncset.done $0x0  }
0x139: {  	s6 =	rddreg [dreg:$0x8];
	[sflag:s15] =	ssyncadd.s32 $0xFFFF8000  }
0x13a: {  	[hbm4b:s6+s3] =	stream.linear.scatter [tilespmem:s23], [sflag:$0x4], $0x8000, $0x38;
	[tilespmem:$0x10100] =	vst v63  }
0x13b: {  	_ =	swait.ge [sflag:s16], $0x8000  }
0x13c: {  	[sflag:s16] =	ssyncset.done $0x0  }
0x13d: {  	s2 =	simm.s32 $0x80;
	s7 =	rddreg [dreg:$0x9];
	[sflag:s16] =	ssyncadd.s32 $0xFFFF8000  }
0x13e: {  	[tilespmem:s2], [sflag:$0x5] =	stream.linear.gather [hbm4b:s7+s3], $0x80, $0x38;
	[tilespmem:$0x10100] =	vst v63  }
0x13f: {  	_ =	swait.ge [sflag:s5], $0x80  }
0x140: {  	[sflag:s5] =	ssyncset.done $0x0  }
0x141: {  	[sflag:s5] =	ssyncadd.s32 $0xFFFFFF80  }
0x142: {  	v3 =	vld [tilespmem:$0x80];
	_ =	sdelay $0x4  }
0x143: {  	v24 =	vshll.u32 v3, $0x1  }
0x144: {  	v3 =	vand.u32 $0x7, v3;
	v4 =	vand.u32 $0xFFFFFFF0, v24  }
0x145: {  	v3 =	vor.u32 v3, v4  }
0x146: {  	v4 =	vperm.xlane v3, v0;
	_ =	sdelay $0x1  }
0x147: {  	v3 =	vperm.xlane v3, v2;
	v4 =	vadd.s32 v1, v4;
	_ =	sdelay $0x1  }
0x148: {  	v3 =	vadd.s32 v1, v3;
	_ =	sdelay $0x2  }
0x149: {  	[tilespmem:s23], [sflag:$0x2] =	stream.indirect_vreg.gather [hbm4b:s1+s3], $0x80, v4, vm0, $0xb8;
	[tilespmem:$0x10100] =	vst v63  }
0x14a: {  	s6 =	simm.s32 $0x8900  }
0x14b: {  	[tilespmem:s6], [sflag:$0x2] =	stream.indirect_vreg.gather [hbm4b:s1+s3], $0x80, v3, vm0, $0xb8;
	[tilespmem:$0x10100] =	vst v63  }
0x14c: {  	v3 =	vld [tilespmem:$0x90];
	_ =	sdelay $0x4  }
0x14d: {  	v25 =	vshll.u32 v3, $0x1  }
0x14e: {  	v3 =	vand.u32 $0x7, v3;
	v4 =	vand.u32 $0xFFFFFFF0, v25  }
0x14f: {  	v3 =	vor.u32 v3, v4  }
0x150: {  	v4 =	vperm.xlane v3, v0;
	_ =	sdelay $0x1  }
0x151: {  	v3 =	vperm.xlane v3, v2;
	v4 =	vadd.s32 v1, v4;
	_ =	sdelay $0x1  }
0x152: {  	v3 =	vadd.s32 v1, v3;
	_ =	sdelay $0x1  }
0x153: {  	s0 =	simm.s32 $0x9100  }
0x154: {  	[tilespmem:s0], [sflag:$0x2] =	stream.indirect_vreg.gather [hbm4b:s1+s3], $0x80, v4, vm0, $0xb8;
	[tilespmem:$0x10100] =	vst v63  }
0x155: {  	s7 =	simm.s32 $0x9900  }
0x156: {  	[tilespmem:s7], [sflag:$0x2] =	stream.indirect_vreg.gather [hbm4b:s1+s3], $0x80, v3, vm0, $0xb8;
	[tilespmem:$0x10100] =	vst v63  }
0x157: {  	v3 =	vld [tilespmem:$0xA0];
	_ =	sdelay $0x4  }
0x158: {  	v26 =	vshll.u32 v3, $0x1  }
0x159: {  	v3 =	vand.u32 $0x7, v3;
	v4 =	vand.u32 $0xFFFFFFF0, v26  }
0x15a: {  	v3 =	vor.u32 v3, v4  }
0x15b: {  	v4 =	vperm.xlane v3, v0;
	_ =	sdelay $0x1  }
0x15c: {  	v3 =	vperm.xlane v3, v2;
	v4 =	vadd.s32 v1, v4;
	_ =	sdelay $0x1  }
0x15d: {  	v3 =	vadd.s32 v1, v3;
	_ =	sdelay $0x1  }
0x15e: {  	s29 =	simm.s32 $0xA100  }
0x15f: {  	[tilespmem:s29], [sflag:$0x2] =	stream.indirect_vreg.gather [hbm4b:s1+s3], $0x80, v4, vm0, $0xb8;
	[tilespmem:$0x10100] =	vst v63  }
0x160: {  	s24 =	simm.s32 $0xA900  }
0x161: {  	[tilespmem:s24], [sflag:$0x2] =	stream.indirect_vreg.gather [hbm4b:s1+s3], $0x80, v3, vm0, $0xb8;
	[tilespmem:$0x10100] =	vst v63  }
0x162: {  	v3 =	vld [tilespmem:$0xB0];
	_ =	sdelay $0x4  }
0x163: {  	v27 =	vshll.u32 v3, $0x1  }
0x164: {  	v3 =	vand.u32 $0x7, v3;
	v4 =	vand.u32 $0xFFFFFFF0, v27  }
0x165: {  	v3 =	vor.u32 v3, v4  }
0x166: {  	v4 =	vperm.xlane v3, v0;
	_ =	sdelay $0x1  }
0x167: {  	v3 =	vperm.xlane v3, v2;
	v4 =	vadd.s32 v1, v4;
	_ =	sdelay $0x1  }
0x168: {  	v3 =	vadd.s32 v1, v3;
	_ =	sdelay $0x1  }
0x169: {  	s24 =	simm.s32 $0xB100  }
0x16a: {  	[tilespmem:s24], [sflag:$0x2] =	stream.indirect_vreg.gather [hbm4b:s1+s3], $0x80, v4, vm0, $0xb8;
	[tilespmem:$0x10100] =	vst v63  }
0x16b: {  	s25 =	simm.s32 $0xB900  }
0x16c: {  	[tilespmem:s25], [sflag:$0x2] =	stream.indirect_vreg.gather [hbm4b:s1+s3], $0x80, v3, vm0, $0xb8;
	[tilespmem:$0x10100] =	vst v63  }
0x16d: {  	v3 =	vld [tilespmem:$0xC0];
	_ =	sdelay $0x4  }
0x16e: {  	v28 =	vshll.u32 v3, $0x1  }
0x16f: {  	v3 =	vand.u32 $0x7, v3;
	v4 =	vand.u32 $0xFFFFFFF0, v28  }
0x170: {  	v3 =	vor.u32 v3, v4  }
0x171: {  	v4 =	vperm.xlane v3, v0;
	_ =	sdelay $0x1  }
0x172: {  	v3 =	vperm.xlane v3, v2;
	v4 =	vadd.s32 v1, v4;
	_ =	sdelay $0x1  }
0x173: {  	v3 =	vadd.s32 v1, v3;
	_ =	sdelay $0x1  }
0x174: {  	s25 =	simm.s32 $0xC100  }
0x175: {  	[tilespmem:s25], [sflag:$0x2] =	stream.indirect_vreg.gather [hbm4b:s1+s3], $0x80, v4, vm0, $0xb8;
	[tilespmem:$0x10100] =	vst v63  }
0x176: {  	s28 =	simm.s32 $0xC900  }
0x177: {  	[tilespmem:s28], [sflag:$0x2] =	stream.indirect_vreg.gather [hbm4b:s1+s3], $0x80, v3, vm0, $0xb8;
	[tilespmem:$0x10100] =	vst v63  }
0x178: {  	v3 =	vld [tilespmem:$0xD0];
	_ =	sdelay $0x4  }
0x179: {  	v29 =	vshll.u32 v3, $0x1  }
0x17a: {  	v3 =	vand.u32 $0x7, v3;
	v4 =	vand.u32 $0xFFFFFFF0, v29  }
0x17b: {  	v3 =	vor.u32 v3, v4  }
0x17c: {  	v4 =	vperm.xlane v3, v0;
	_ =	sdelay $0x1  }
0x17d: {  	v3 =	vperm.xlane v3, v2;
	v4 =	vadd.s32 v1, v4;
	_ =	sdelay $0x1  }
0x17e: {  	v3 =	vadd.s32 v1, v3;
	_ =	sdelay $0x1  }
0x17f: {  	s28 =	simm.s32 $0xD100  }
0x180: {  	[tilespmem:s28], [sflag:$0x2] =	stream.indirect_vreg.gather [hbm4b:s1+s3], $0x80, v4, vm0, $0xb8;
	[tilespmem:$0x10100] =	vst v63  }
0x181: {  	s20 =	simm.s32 $0xD900  }
0x182: {  	[tilespmem:s20], [sflag:$0x2] =	stream.indirect_vreg.gather [hbm4b:s1+s3], $0x80, v3, vm0, $0xb8;
	[tilespmem:$0x10100] =	vst v63  }
0x183: {  	v3 =	vld [tilespmem:$0xE0];
	_ =	sdelay $0x4  }
0x184: {  	v30 =	vshll.u32 v3, $0x1  }
0x185: {  	v3 =	vand.u32 $0x7, v3;
	v4 =	vand.u32 $0xFFFFFFF0, v30  }
0x186: {  	v3 =	vor.u32 v3, v4  }
0x187: {  	v4 =	vperm.xlane v3, v0;
	_ =	sdelay $0x1  }
0x188: {  	v3 =	vperm.xlane v3, v2;
	v4 =	vadd.s32 v1, v4;
	_ =	sdelay $0x1  }
0x189: {  	v3 =	vadd.s32 v1, v3;
	_ =	sdelay $0x1  }
0x18a: {  	s20 =	simm.s32 $0xE100  }
0x18b: {  	[tilespmem:s20], [sflag:$0x2] =	stream.indirect_vreg.gather [hbm4b:s1+s3], $0x80, v4, vm0, $0xb8;
	[tilespmem:$0x10100] =	vst v63  }
0x18c: {  	s21 =	simm.s32 $0xE900  }
0x18d: {  	[tilespmem:s21], [sflag:$0x2] =	stream.indirect_vreg.gather [hbm4b:s1+s3], $0x80, v3, vm0, $0xb8;
	[tilespmem:$0x10100] =	vst v63  }
0x18e: {  	v3 =	vld [tilespmem:$0xF0];
	_ =	sdelay $0x4  }
0x18f: {  	v31 =	vshll.u32 v3, $0x1  }
0x190: {  	v3 =	vand.u32 $0x7, v3;
	v4 =	vand.u32 $0xFFFFFFF0, v31  }
0x191: {  	v3 =	vor.u32 v3, v4  }
0x192: {  	v4 =	vperm.xlane v3, v0;
	_ =	sdelay $0x1  }
0x193: {  	v3 =	vperm.xlane v3, v2;
	v4 =	vadd.s32 v1, v4;
	_ =	sdelay $0x1  }
0x194: {  	v3 =	vadd.s32 v1, v3;
	_ =	sdelay $0x1  }
0x195: {  	s21 =	simm.s32 $0xF100  }
0x196: {  	[tilespmem:s21], [sflag:$0x2] =	stream.indirect_vreg.gather [hbm4b:s1+s3], $0x80, v4, vm0, $0xb8;
	[tilespmem:$0x10100] =	vst v63  }
0x197: {  	s22 =	simm.s32 $0xF900  }
0x198: {  	[tilespmem:s22], [sflag:$0x2] =	stream.indirect_vreg.gather [hbm4b:s1+s3], $0x80, v3, vm0, $0xb8;
	[tilespmem:$0x10100] =	vst v63  }
0x199: {  	_ =	swait.ge [sflag:s13], $0x8000  }
0x19a: {  	[sflag:s13] =	ssyncset.done $0x0  }
0x19b: {  	s22 =	rddreg [dreg:$0xa];
	[sflag:s13] =	ssyncadd.s32 $0xFFFF8000  }
0x19c: {  	[hbm4b:s22+s3] =	stream.linear.scatter [tilespmem:s31], [sflag:$0x3], $0x8000, $0x38;
	[tilespmem:$0x10100] =	vst v63  }
0x19d: {  	_ =	swait.ge [sflag:s14], $0x8000  }
0x19e: {  	[sflag:s14] =	ssyncset.done $0x0  }
0x19f: {  	s22 =	rddreg [dreg:$0xb];
	[sflag:s14] =	ssyncadd.s32 $0xFFFF8000  }
0x1a0: {  	[tilespmem:s3], [sflag:$0x5] =	stream.linear.gather [hbm4b:s22+s3], $0x80, $0x38;
	[tilespmem:$0x10100] =	vst v63  }
0x1a1: {  	_ =	swait.ge [sflag:s5], $0x80  }
0x1a2: {  	[sflag:s5] =	ssyncset.done $0x0  }
0x1a3: {  	[sflag:s5] =	ssyncadd.s32 $0xFFFFFF80  }
0x1a4: {  	v3 =	vld [tilespmem:$0x0];
	_ =	sdelay $0x4  }
0x1a5: {  	v32 =	vshll.u32 v3, $0x1  }
0x1a6: {  	v3 =	vand.u32 $0x7, v3;
	v4 =	vand.u32 $0xFFFFFFF0, v32  }
0x1a7: {  	v3 =	vor.u32 v3, v4  }
0x1a8: {  	v4 =	vperm.xlane v3, v0;
	_ =	sdelay $0x1  }
0x1a9: {  	v3 =	vperm.xlane v3, v2;
	v4 =	vadd.s32 v1, v4;
	_ =	sdelay $0x1  }
0x1aa: {  	v3 =	vadd.s32 v1, v3;
	_ =	sdelay $0x2  }
0x1ab: {  	[tilespmem:s31], [sflag:$0x1] =	stream.indirect_vreg.gather [hbm4b:s1+s3], $0x80, v4, vm0, $0xb8;
	[tilespmem:$0x10100] =	vst v63  }
0x1ac: {  	s22 =	simm.s32 $0x900  }
0x1ad: {  	[tilespmem:s22], [sflag:$0x1] =	stream.indirect_vreg.gather [hbm4b:s1+s3], $0x80, v3, vm0, $0xb8;
	[tilespmem:$0x10100] =	vst v63  }
0x1ae: {  	v3 =	vld [tilespmem:$0x10];
	_ =	sdelay $0x4  }
0x1af: {  	v33 =	vshll.u32 v3, $0x1  }
0x1b0: {  	v3 =	vand.u32 $0x7, v3;
	v4 =	vand.u32 $0xFFFFFFF0, v33  }
0x1b1: {  	v3 =	vor.u32 v3, v4  }
0x1b2: {  	v4 =	vperm.xlane v3, v0;
	_ =	sdelay $0x1  }
0x1b3: {  	v3 =	vperm.xlane v3, v2;
	v4 =	vadd.s32 v1, v4;
	_ =	sdelay $0x1  }
0x1b4: {  	v3 =	vadd.s32 v1, v3;
	_ =	sdelay $0x1  }
0x1b5: {  	s22 =	simm.s32 $0x1100  }
0x1b6: {  	[tilespmem:s22], [sflag:$0x1] =	stream.indirect_vreg.gather [hbm4b:s1+s3], $0x80, v4, vm0, $0xb8;
	[tilespmem:$0x10100] =	vst v63  }
0x1b7: {  	s22 =	simm.s32 $0x1900  }
0x1b8: {  	[tilespmem:s22], [sflag:$0x1] =	stream.indirect_vreg.gather [hbm4b:s1+s3], $0x80, v3, vm0, $0xb8;
	[tilespmem:$0x10100] =	vst v63  }
0x1b9: {  	v3 =	vld [tilespmem:$0x20];
	_ =	sdelay $0x4  }
0x1ba: {  	v34 =	vshll.u32 v3, $0x1  }
0x1bb: {  	v3 =	vand.u32 $0x7, v3;
	v4 =	vand.u32 $0xFFFFFFF0, v34  }
0x1bc: {  	v3 =	vor.u32 v3, v4  }
0x1bd: {  	v4 =	vperm.xlane v3, v0;
	_ =	sdelay $0x1  }
0x1be: {  	v3 =	vperm.xlane v3, v2;
	v4 =	vadd.s32 v1, v4;
	_ =	sdelay $0x1  }
0x1bf: {  	v3 =	vadd.s32 v1, v3;
	_ =	sdelay $0x1  }
0x1c0: {  	s22 =	simm.s32 $0x2100  }
0x1c1: {  	[tilespmem:s22], [sflag:$0x1] =	stream.indirect_vreg.gather [hbm4b:s1+s3], $0x80, v4, vm0, $0xb8;
	[tilespmem:$0x10100] =	vst v63  }
0x1c2: {  	_ = 	snop  }
0x1c3: {  	[tilespmem:s26], [sflag:$0x1] =	stream.indirect_vreg.gather [hbm4b:s1+s3], $0x80, v3, vm0, $0xb8;
	[tilespmem:$0x10100] =	vst v63  }
0x1c4: {  	v3 =	vld [tilespmem:$0x30];
	_ =	sdelay $0x4  }
0x1c5: {  	v35 =	vshll.u32 v3, $0x1  }
0x1c6: {  	v3 =	vand.u32 $0x7, v3;
	v4 =	vand.u32 $0xFFFFFFF0, v35  }
0x1c7: {  	v3 =	vor.u32 v3, v4  }
0x1c8: {  	v4 =	vperm.xlane v3, v0;
	_ =	sdelay $0x1  }
0x1c9: {  	v3 =	vperm.xlane v3, v2;
	v4 =	vadd.s32 v1, v4;
	_ =	sdelay $0x1  }
0x1ca: {  	v3 =	vadd.s32 v1, v3;
	_ =	sdelay $0x1  }
0x1cb: {  	s26 =	simm.s32 $0x3100  }
0x1cc: {  	[tilespmem:s26], [sflag:$0x1] =	stream.indirect_vreg.gather [hbm4b:s1+s3], $0x80, v4, vm0, $0xb8;
	[tilespmem:$0x10100] =	vst v63  }
0x1cd: {  	s26 =	simm.s32 $0x3900  }
0x1ce: {  	[tilespmem:s26], [sflag:$0x1] =	stream.indirect_vreg.gather [hbm4b:s1+s3], $0x80, v3, vm0, $0xb8;
	[tilespmem:$0x10100] =	vst v63  }
0x1cf: {  	v3 =	vld [tilespmem:$0x40];
	_ =	sdelay $0x4  }
0x1d0: {  	v36 =	vshll.u32 v3, $0x1  }
0x1d1: {  	v3 =	vand.u32 $0x7, v3;
	v4 =	vand.u32 $0xFFFFFFF0, v36  }
0x1d2: {  	v3 =	vor.u32 v3, v4  }
0x1d3: {  	v4 =	vperm.xlane v3, v0;
	_ =	sdelay $0x1  }
0x1d4: {  	v3 =	vperm.xlane v3, v2;
	v4 =	vadd.s32 v1, v4;
	_ =	sdelay $0x1  }
0x1d5: {  	v3 =	vadd.s32 v1, v3;
	_ =	sdelay $0x2  }
0x1d6: {  	[tilespmem:s8], [sflag:$0x1] =	stream.indirect_vreg.gather [hbm4b:s1+s3], $0x80, v4, vm0, $0xb8;
	[tilespmem:$0x10100] =	vst v63  }
0x1d7: {  	_ = 	snop  }
0x1d8: {  	[tilespmem:s11], [sflag:$0x1] =	stream.indirect_vreg.gather [hbm4b:s1+s3], $0x80, v3, vm0, $0xb8;
	[tilespmem:$0x10100] =	vst v63  }
0x1d9: {  	v3 =	vld [tilespmem:$0x50];
	_ =	sdelay $0x4  }
0x1da: {  	v37 =	vshll.u32 v3, $0x1  }
0x1db: {  	v3 =	vand.u32 $0x7, v3;
	v4 =	vand.u32 $0xFFFFFFF0, v37  }
0x1dc: {  	v3 =	vor.u32 v3, v4  }
0x1dd: {  	v4 =	vperm.xlane v3, v0;
	_ =	sdelay $0x1  }
0x1de: {  	v3 =	vperm.xlane v3, v2;
	v4 =	vadd.s32 v1, v4;
	_ =	sdelay $0x1  }
0x1df: {  	v3 =	vadd.s32 v1, v3;
	_ =	sdelay $0x2  }
0x1e0: {  	[tilespmem:s9], [sflag:$0x1] =	stream.indirect_vreg.gather [hbm4b:s1+s3], $0x80, v4, vm0, $0xb8;
	[tilespmem:$0x10100] =	vst v63  }
0x1e1: {  	s26 =	simm.s32 $0x5900  }
0x1e2: {  	[tilespmem:s26], [sflag:$0x1] =	stream.indirect_vreg.gather [hbm4b:s1+s3], $0x80, v3, vm0, $0xb8;
	[tilespmem:$0x10100] =	vst v63  }
0x1e3: {  	v3 =	vld [tilespmem:$0x60];
	_ =	sdelay $0x4  }
0x1e4: {  	v38 =	vshll.u32 v3, $0x1  }
0x1e5: {  	v3 =	vand.u32 $0x7, v3;
	v4 =	vand.u32 $0xFFFFFFF0, v38  }
0x1e6: {  	v3 =	vor.u32 v3, v4  }
0x1e7: {  	v4 =	vperm.xlane v3, v0;
	_ =	sdelay $0x1  }
0x1e8: {  	v3 =	vperm.xlane v3, v2;
	v4 =	vadd.s32 v1, v4;
	_ =	sdelay $0x1  }
0x1e9: {  	v3 =	vadd.s32 v1, v3;
	_ =	sdelay $0x2  }
0x1ea: {  	[tilespmem:s10], [sflag:$0x1] =	stream.indirect_vreg.gather [hbm4b:s1+s3], $0x80, v4, vm0, $0xb8;
	[tilespmem:$0x10100] =	vst v63  }
0x1eb: {  	_ = 	snop  }
0x1ec: {  	[tilespmem:s12], [sflag:$0x1] =	stream.indirect_vreg.gather [hbm4b:s1+s3], $0x80, v3, vm0, $0xb8;
	[tilespmem:$0x10100] =	vst v63  }
0x1ed: {  	v3 =	vld [tilespmem:$0x70];
	_ =	sdelay $0x4  }
0x1ee: {  	v39 =	vshll.u32 v3, $0x1  }
0x1ef: {  	v3 =	vand.u32 $0x7, v3;
	v4 =	vand.u32 $0xFFFFFFF0, v39  }
0x1f0: {  	v3 =	vor.u32 v3, v4  }
0x1f1: {  	v4 =	vperm.xlane v3, v0;
	_ =	sdelay $0x1  }
0x1f2: {  	v3 =	vperm.xlane v3, v2;
	v4 =	vadd.s32 v1, v4;
	_ =	sdelay $0x1  }
0x1f3: {  	v3 =	vadd.s32 v1, v3;
	_ =	sdelay $0x2  }
0x1f4: {  	[tilespmem:s18], [sflag:$0x1] =	stream.indirect_vreg.gather [hbm4b:s1+s3], $0x80, v4, vm0, $0xb8;
	[tilespmem:$0x10100] =	vst v63  }
0x1f5: {  	_ = 	snop  }
0x1f6: {  	[tilespmem:s19], [sflag:$0x1] =	stream.indirect_vreg.gather [hbm4b:s1+s3], $0x80, v3, vm0, $0xb8;
	[tilespmem:$0x10100] =	vst v63  }
0x1f7: {  	_ =	swait.ge [sflag:s15], $0x8000  }
0x1f8: {  	[sflag:s15] =	ssyncset.done $0x0  }
0x1f9: {  	s26 =	rddreg [dreg:$0xc];
	[sflag:s15] =	ssyncadd.s32 $0xFFFF8000  }
0x1fa: {  	[hbm4b:s26+s3] =	stream.linear.scatter [tilespmem:s23], [sflag:$0x4], $0x8000, $0x38;
	[tilespmem:$0x10100] =	vst v63  }
0x1fb: {  	_ =	swait.ge [sflag:s16], $0x8000  }
0x1fc: {  	[sflag:s16] =	ssyncset.done $0x0  }
0x1fd: {  	s26 =	rddreg [dreg:$0xd];
	[sflag:s16] =	ssyncadd.s32 $0xFFFF8000  }
0x1fe: {  	[tilespmem:s2], [sflag:$0x5] =	stream.linear.gather [hbm4b:s26+s3], $0x80, $0x38;
	[tilespmem:$0x10100] =	vst v63  }
0x1ff: {  	_ =	swait.ge [sflag:s5], $0x80  }
0x200: {  	[sflag:s5] =	ssyncset.done $0x0  }
0x201: {  	[sflag:s5] =	ssyncadd.s32 $0xFFFFFF80  }
0x202: {  	v3 =	vld [tilespmem:$0x80];
	_ =	sdelay $0x4  }
0x203: {  	v40 =	vshll.u32 v3, $0x1  }
0x204: {  	v3 =	vand.u32 $0x7, v3;
	v4 =	vand.u32 $0xFFFFFFF0, v40  }
0x205: {  	v3 =	vor.u32 v3, v4  }
0x206: {  	v4 =	vperm.xlane v3, v0;
	_ =	sdelay $0x1  }
0x207: {  	v3 =	vperm.xlane v3, v2;
	v4 =	vadd.s32 v1, v4;
	_ =	sdelay $0x1  }
0x208: {  	v3 =	vadd.s32 v1, v3;
	_ =	sdelay $0x2  }
0x209: {  	[tilespmem:s23], [sflag:$0x2] =	stream.indirect_vreg.gather [hbm4b:s1+s3], $0x80, v4, vm0, $0xb8;
	[tilespmem:$0x10100] =	vst v63  }
0x20a: {  	_ = 	snop  }
0x20b: {  	[tilespmem:s6], [sflag:$0x2] =	stream.indirect_vreg.gather [hbm4b:s1+s3], $0x80, v3, vm0, $0xb8;
	[tilespmem:$0x10100] =	vst v63  }
0x20c: {  	v3 =	vld [tilespmem:$0x90];
	_ =	sdelay $0x4  }
0x20d: {  	v41 =	vshll.u32 v3, $0x1  }
0x20e: {  	v3 =	vand.u32 $0x7, v3;
	v4 =	vand.u32 $0xFFFFFFF0, v41  }
0x20f: {  	v3 =	vor.u32 v3, v4  }
0x210: {  	v4 =	vperm.xlane v3, v0;
	_ =	sdelay $0x1  }
0x211: {  	v3 =	vperm.xlane v3, v2;
	v4 =	vadd.s32 v1, v4;
	_ =	sdelay $0x1  }
0x212: {  	v3 =	vadd.s32 v1, v3;
	_ =	sdelay $0x2  }
0x213: {  	[tilespmem:s0], [sflag:$0x2] =	stream.indirect_vreg.gather [hbm4b:s1+s3], $0x80, v4, vm0, $0xb8;
	[tilespmem:$0x10100] =	vst v63  }
0x214: {  	_ = 	snop  }
0x215: {  	[tilespmem:s7], [sflag:$0x2] =	stream.indirect_vreg.gather [hbm4b:s1+s3], $0x80, v3, vm0, $0xb8;
	[tilespmem:$0x10100] =	vst v63  }
0x216: {  	v3 =	vld [tilespmem:$0xA0];
	_ =	sdelay $0x4  }
0x217: {  	v42 =	vshll.u32 v3, $0x1  }
0x218: {  	v3 =	vand.u32 $0x7, v3;
	v4 =	vand.u32 $0xFFFFFFF0, v42  }
0x219: {  	v3 =	vor.u32 v3, v4  }
0x21a: {  	v4 =	vperm.xlane v3, v0;
	_ =	sdelay $0x1  }
0x21b: {  	v3 =	vperm.xlane v3, v2;
	v4 =	vadd.s32 v1, v4;
	_ =	sdelay $0x1  }
0x21c: {  	v3 =	vadd.s32 v1, v3;
	_ =	sdelay $0x1  }
0x21d: {  	s29 =	simm.s32 $0xA100  }
0x21e: {  	[tilespmem:s29], [sflag:$0x2] =	stream.indirect_vreg.gather [hbm4b:s1+s3], $0x80, v4, vm0, $0xb8;
	[tilespmem:$0x10100] =	vst v63  }
0x21f: {  	s30 =	simm.s32 $0xA900  }
0x220: {  	[tilespmem:s30], [sflag:$0x2] =	stream.indirect_vreg.gather [hbm4b:s1+s3], $0x80, v3, vm0, $0xb8;
	[tilespmem:$0x10100] =	vst v63  }
0x221: {  	v3 =	vld [tilespmem:$0xB0];
	_ =	sdelay $0x4  }
0x222: {  	v43 =	vshll.u32 v3, $0x1  }
0x223: {  	v3 =	vand.u32 $0x7, v3;
	v4 =	vand.u32 $0xFFFFFFF0, v43  }
0x224: {  	v3 =	vor.u32 v3, v4  }
0x225: {  	v4 =	vperm.xlane v3, v0;
	_ =	sdelay $0x1  }
0x226: {  	v3 =	vperm.xlane v3, v2;
	v4 =	vadd.s32 v1, v4;
	_ =	sdelay $0x1  }
0x227: {  	v3 =	vadd.s32 v1, v3;
	_ =	sdelay $0x1  }
0x228: {  	s24 =	simm.s32 $0xB100  }
0x229: {  	[tilespmem:s24], [sflag:$0x2] =	stream.indirect_vreg.gather [hbm4b:s1+s3], $0x80, v4, vm0, $0xb8;
	[tilespmem:$0x10100] =	vst v63  }
0x22a: {  	s24 =	simm.s32 $0xB900  }
0x22b: {  	[tilespmem:s24], [sflag:$0x2] =	stream.indirect_vreg.gather [hbm4b:s1+s3], $0x80, v3, vm0, $0xb8;
	[tilespmem:$0x10100] =	vst v63  }
0x22c: {  	v3 =	vld [tilespmem:$0xC0];
	_ =	sdelay $0x4  }
0x22d: {  	v44 =	vshll.u32 v3, $0x1  }
0x22e: {  	v3 =	vand.u32 $0x7, v3;
	v4 =	vand.u32 $0xFFFFFFF0, v44  }
0x22f: {  	v3 =	vor.u32 v3, v4  }
0x230: {  	v4 =	vperm.xlane v3, v0;
	_ =	sdelay $0x1  }
0x231: {  	v3 =	vperm.xlane v3, v2;
	v4 =	vadd.s32 v1, v4;
	_ =	sdelay $0x1  }
0x232: {  	v3 =	vadd.s32 v1, v3;
	_ =	sdelay $0x1  }
0x233: {  	s25 =	simm.s32 $0xC100  }
0x234: {  	[tilespmem:s25], [sflag:$0x2] =	stream.indirect_vreg.gather [hbm4b:s1+s3], $0x80, v4, vm0, $0xb8;
	[tilespmem:$0x10100] =	vst v63  }
0x235: {  	s25 =	simm.s32 $0xC900  }
0x236: {  	[tilespmem:s25], [sflag:$0x2] =	stream.indirect_vreg.gather [hbm4b:s1+s3], $0x80, v3, vm0, $0xb8;
	[tilespmem:$0x10100] =	vst v63  }
0x237: {  	v3 =	vld [tilespmem:$0xD0];
	_ =	sdelay $0x4  }
0x238: {  	v45 =	vshll.u32 v3, $0x1  }
0x239: {  	v3 =	vand.u32 $0x7, v3;
	v4 =	vand.u32 $0xFFFFFFF0, v45  }
0x23a: {  	v3 =	vor.u32 v3, v4  }
0x23b: {  	v4 =	vperm.xlane v3, v0;
	_ =	sdelay $0x1  }
0x23c: {  	v3 =	vperm.xlane v3, v2;
	v4 =	vadd.s32 v1, v4;
	_ =	sdelay $0x1  }
0x23d: {  	v3 =	vadd.s32 v1, v3;
	_ =	sdelay $0x1  }
0x23e: {  	s28 =	simm.s32 $0xD100  }
0x23f: {  	[tilespmem:s28], [sflag:$0x2] =	stream.indirect_vreg.gather [hbm4b:s1+s3], $0x80, v4, vm0, $0xb8;
	[tilespmem:$0x10100] =	vst v63  }
0x240: {  	s28 =	simm.s32 $0xD900  }
0x241: {  	[tilespmem:s28], [sflag:$0x2] =	stream.indirect_vreg.gather [hbm4b:s1+s3], $0x80, v3, vm0, $0xb8;
	[tilespmem:$0x10100] =	vst v63  }
0x242: {  	v3 =	vld [tilespmem:$0xE0];
	_ =	sdelay $0x4  }
0x243: {  	v46 =	vshll.u32 v3, $0x1  }
0x244: {  	v3 =	vand.u32 $0x7, v3;
	v4 =	vand.u32 $0xFFFFFFF0, v46  }
0x245: {  	v3 =	vor.u32 v3, v4  }
0x246: {  	v4 =	vperm.xlane v3, v0;
	_ =	sdelay $0x1  }
0x247: {  	v3 =	vperm.xlane v3, v2;
	v4 =	vadd.s32 v1, v4;
	_ =	sdelay $0x1  }
0x248: {  	v3 =	vadd.s32 v1, v3;
	_ =	sdelay $0x1  }
0x249: {  	s20 =	simm.s32 $0xE100  }
0x24a: {  	[tilespmem:s20], [sflag:$0x2] =	stream.indirect_vreg.gather [hbm4b:s1+s3], $0x80, v4, vm0, $0xb8;
	[tilespmem:$0x10100] =	vst v63  }
0x24b: {  	s20 =	simm.s32 $0xE900  }
0x24c: {  	[tilespmem:s20], [sflag:$0x2] =	stream.indirect_vreg.gather [hbm4b:s1+s3], $0x80, v3, vm0, $0xb8;
	[tilespmem:$0x10100] =	vst v63  }
0x24d: {  	v3 =	vld [tilespmem:$0xF0];
	_ =	sdelay $0x4  }
0x24e: {  	v47 =	vshll.u32 v3, $0x1  }
0x24f: {  	v3 =	vand.u32 $0x7, v3;
	v4 =	vand.u32 $0xFFFFFFF0, v47  }
0x250: {  	v3 =	vor.u32 v3, v4  }
0x251: {  	v4 =	vperm.xlane v3, v0;
	_ =	sdelay $0x1  }
0x252: {  	v3 =	vperm.xlane v3, v2;
	v4 =	vadd.s32 v1, v4;
	_ =	sdelay $0x1  }
0x253: {  	v3 =	vadd.s32 v1, v3;
	_ =	sdelay $0x1  }
0x254: {  	s21 =	simm.s32 $0xF100  }
0x255: {  	[tilespmem:s21], [sflag:$0x2] =	stream.indirect_vreg.gather [hbm4b:s1+s3], $0x80, v4, vm0, $0xb8;
	[tilespmem:$0x10100] =	vst v63  }
0x256: {  	s21 =	simm.s32 $0xF900  }
0x257: {  	[tilespmem:s21], [sflag:$0x2] =	stream.indirect_vreg.gather [hbm4b:s1+s3], $0x80, v3, vm0, $0xb8;
	[tilespmem:$0x10100] =	vst v63  }
0x258: {  	_ =	swait.ge [sflag:s13], $0x8000  }
0x259: {  	[sflag:s13] =	ssyncset.done $0x0  }
0x25a: {  	s17 =	rddreg [dreg:$0xe];
	[sflag:s13] =	ssyncadd.s32 $0xFFFF8000  }
0x25b: {  	[hbm4b:s17+s3] =	stream.linear.scatter [tilespmem:s31], [sflag:$0x3], $0x8000, $0x38;
	[tilespmem:$0x10100] =	vst v63  }
0x25c: {  	_ =	swait.ge [sflag:s14], $0x8000  }
0x25d: {  	[sflag:s14] =	ssyncset.done $0x0  }
0x25e: {  	s17 =	rddreg [dreg:$0xf];
	[sflag:s14] =	ssyncadd.s32 $0xFFFF8000  }
0x25f: {  	[tilespmem:s3], [sflag:$0x5] =	stream.linear.gather [hbm4b:s17+s3], $0x80, $0x38;
	[tilespmem:$0x10100] =	vst v63  }
0x260: {  	_ =	swait.ge [sflag:s5], $0x80  }
0x261: {  	[sflag:s5] =	ssyncset.done $0x0  }
0x262: {  	[sflag:s5] =	ssyncadd.s32 $0xFFFFFF80  }
0x263: {  	v3 =	vld [tilespmem:$0x0];
	_ =	sdelay $0x4  }
0x264: {  	v48 =	vshll.u32 v3, $0x1  }
0x265: {  	v3 =	vand.u32 $0x7, v3;
	v4 =	vand.u32 $0xFFFFFFF0, v48  }
0x266: {  	v3 =	vor.u32 v3, v4  }
0x267: {  	v4 =	vperm.xlane v3, v0;
	_ =	sdelay $0x1  }
0x268: {  	v3 =	vperm.xlane v3, v2;
	v4 =	vadd.s32 v1, v4;
	_ =	sdelay $0x1  }
0x269: {  	v3 =	vadd.s32 v1, v3;
	_ =	sdelay $0x2  }
0x26a: {  	[tilespmem:s31], [sflag:$0x1] =	stream.indirect_vreg.gather [hbm4b:s1+s3], $0x80, v4, vm0, $0xb8;
	[tilespmem:$0x10100] =	vst v63  }
0x26b: {  	s17 =	simm.s32 $0x900  }
0x26c: {  	[tilespmem:s17], [sflag:$0x1] =	stream.indirect_vreg.gather [hbm4b:s1+s3], $0x80, v3, vm0, $0xb8;
	[tilespmem:$0x10100] =	vst v63  }
0x26d: {  	v3 =	vld [tilespmem:$0x10];
	_ =	sdelay $0x4  }
0x26e: {  	v49 =	vshll.u32 v3, $0x1  }
0x26f: {  	v3 =	vand.u32 $0x7, v3;
	v4 =	vand.u32 $0xFFFFFFF0, v49  }
0x270: {  	v3 =	vor.u32 v3, v4  }
0x271: {  	v4 =	vperm.xlane v3, v0;
	_ =	sdelay $0x1  }
0x272: {  	v3 =	vperm.xlane v3, v2;
	v4 =	vadd.s32 v1, v4;
	_ =	sdelay $0x1  }
0x273: {  	v3 =	vadd.s32 v1, v3;
	_ =	sdelay $0x1  }
0x274: {  	s17 =	simm.s32 $0x1100  }
0x275: {  	[tilespmem:s17], [sflag:$0x1] =	stream.indirect_vreg.gather [hbm4b:s1+s3], $0x80, v4, vm0, $0xb8;
	[tilespmem:$0x10100] =	vst v63  }
0x276: {  	s17 =	simm.s32 $0x1900  }
0x277: {  	[tilespmem:s17], [sflag:$0x1] =	stream.indirect_vreg.gather [hbm4b:s1+s3], $0x80, v3, vm0, $0xb8;
	[tilespmem:$0x10100] =	vst v63  }
0x278: {  	v3 =	vld [tilespmem:$0x20];
	_ =	sdelay $0x4  }
0x279: {  	v50 =	vshll.u32 v3, $0x1  }
0x27a: {  	v3 =	vand.u32 $0x7, v3;
	v4 =	vand.u32 $0xFFFFFFF0, v50  }
0x27b: {  	v3 =	vor.u32 v3, v4  }
0x27c: {  	v4 =	vperm.xlane v3, v0;
	_ =	sdelay $0x1  }
0x27d: {  	v3 =	vperm.xlane v3, v2;
	v4 =	vadd.s32 v1, v4;
	_ =	sdelay $0x1  }
0x27e: {  	v3 =	vadd.s32 v1, v3;
	_ =	sdelay $0x1  }
0x27f: {  	s17 =	simm.s32 $0x2100  }
0x280: {  	[tilespmem:s17], [sflag:$0x1] =	stream.indirect_vreg.gather [hbm4b:s1+s3], $0x80, v4, vm0, $0xb8;
	[tilespmem:$0x10100] =	vst v63  }
0x281: {  	s22 =	simm.s32 $0x2900  }
0x282: {  	[tilespmem:s22], [sflag:$0x1] =	stream.indirect_vreg.gather [hbm4b:s1+s3], $0x80, v3, vm0, $0xb8;
	[tilespmem:$0x10100] =	vst v63  }
0x283: {  	v3 =	vld [tilespmem:$0x30];
	_ =	sdelay $0x4  }
0x284: {  	v51 =	vshll.u32 v3, $0x1  }
0x285: {  	v3 =	vand.u32 $0x7, v3;
	v4 =	vand.u32 $0xFFFFFFF0, v51  }
0x286: {  	v3 =	vor.u32 v3, v4  }
0x287: {  	v4 =	vperm.xlane v3, v0;
	_ =	sdelay $0x1  }
0x288: {  	v3 =	vperm.xlane v3, v2;
	v4 =	vadd.s32 v1, v4;
	_ =	sdelay $0x1  }
0x289: {  	v3 =	vadd.s32 v1, v3;
	_ =	sdelay $0x1  }
0x28a: {  	s22 =	simm.s32 $0x3100  }
0x28b: {  	[tilespmem:s22], [sflag:$0x1] =	stream.indirect_vreg.gather [hbm4b:s1+s3], $0x80, v4, vm0, $0xb8;
	[tilespmem:$0x10100] =	vst v63  }
0x28c: {  	s22 =	simm.s32 $0x3900  }
0x28d: {  	[tilespmem:s22], [sflag:$0x1] =	stream.indirect_vreg.gather [hbm4b:s1+s3], $0x80, v3, vm0, $0xb8;
	[tilespmem:$0x10100] =	vst v63  }
0x28e: {  	v3 =	vld [tilespmem:$0x40];
	_ =	sdelay $0x4  }
0x28f: {  	v52 =	vshll.u32 v3, $0x1  }
0x290: {  	v3 =	vand.u32 $0x7, v3;
	v4 =	vand.u32 $0xFFFFFFF0, v52  }
0x291: {  	v3 =	vor.u32 v3, v4  }
0x292: {  	v4 =	vperm.xlane v3, v0;
	_ =	sdelay $0x1  }
0x293: {  	v3 =	vperm.xlane v3, v2;
	v4 =	vadd.s32 v1, v4;
	_ =	sdelay $0x1  }
0x294: {  	v3 =	vadd.s32 v1, v3;
	_ =	sdelay $0x1  }
0x295: {  	s8 =	simm.s32 $0x4100  }
0x296: {  	[tilespmem:s8], [sflag:$0x1] =	stream.indirect_vreg.gather [hbm4b:s1+s3], $0x80, v4, vm0, $0xb8;
	[tilespmem:$0x10100] =	vst v63  }
0x297: {  	s11 =	simm.s32 $0x4900  }
0x298: {  	[tilespmem:s11], [sflag:$0x1] =	stream.indirect_vreg.gather [hbm4b:s1+s3], $0x80, v3, vm0, $0xb8;
	[tilespmem:$0x10100] =	vst v63  }
0x299: {  	v3 =	vld [tilespmem:$0x50];
	_ =	sdelay $0x4  }
0x29a: {  	v53 =	vshll.u32 v3, $0x1  }
0x29b: {  	v3 =	vand.u32 $0x7, v3;
	v4 =	vand.u32 $0xFFFFFFF0, v53  }
0x29c: {  	v3 =	vor.u32 v3, v4  }
0x29d: {  	v4 =	vperm.xlane v3, v0;
	_ =	sdelay $0x1  }
0x29e: {  	v3 =	vperm.xlane v3, v2;
	v4 =	vadd.s32 v1, v4;
	_ =	sdelay $0x1  }
0x29f: {  	v3 =	vadd.s32 v1, v3;
	_ =	sdelay $0x1  }
0x2a0: {  	s9 =	simm.s32 $0x5100  }
0x2a1: {  	[tilespmem:s9], [sflag:$0x1] =	stream.indirect_vreg.gather [hbm4b:s1+s3], $0x80, v4, vm0, $0xb8;
	[tilespmem:$0x10100] =	vst v63  }
0x2a2: {  	s17 =	simm.s32 $0x5900  }
0x2a3: {  	[tilespmem:s17], [sflag:$0x1] =	stream.indirect_vreg.gather [hbm4b:s1+s3], $0x80, v3, vm0, $0xb8;
	[tilespmem:$0x10100] =	vst v63  }
0x2a4: {  	v3 =	vld [tilespmem:$0x60];
	_ =	sdelay $0x4  }
0x2a5: {  	v54 =	vshll.u32 v3, $0x1  }
0x2a6: {  	v3 =	vand.u32 $0x7, v3;
	v4 =	vand.u32 $0xFFFFFFF0, v54  }
0x2a7: {  	v3 =	vor.u32 v3, v4  }
0x2a8: {  	v4 =	vperm.xlane v3, v0;
	_ =	sdelay $0x1  }
0x2a9: {  	v3 =	vperm.xlane v3, v2;
	v4 =	vadd.s32 v1, v4;
	_ =	sdelay $0x1  }
0x2aa: {  	v3 =	vadd.s32 v1, v3;
	_ =	sdelay $0x1  }
0x2ab: {  	s10 =	simm.s32 $0x6100  }
0x2ac: {  	[tilespmem:s10], [sflag:$0x1] =	stream.indirect_vreg.gather [hbm4b:s1+s3], $0x80, v4, vm0, $0xb8;
	[tilespmem:$0x10100] =	vst v63  }
0x2ad: {  	s12 =	simm.s32 $0x6900  }
0x2ae: {  	[tilespmem:s12], [sflag:$0x1] =	stream.indirect_vreg.gather [hbm4b:s1+s3], $0x80, v3, vm0, $0xb8;
	[tilespmem:$0x10100] =	vst v63  }
0x2af: {  	v3 =	vld [tilespmem:$0x70];
	_ =	sdelay $0x4  }
0x2b0: {  	v55 =	vshll.u32 v3, $0x1  }
0x2b1: {  	v3 =	vand.u32 $0x7, v3;
	v4 =	vand.u32 $0xFFFFFFF0, v55  }
0x2b2: {  	v3 =	vor.u32 v3, v4  }
0x2b3: {  	v4 =	vperm.xlane v3, v0;
	_ =	sdelay $0x1  }
0x2b4: {  	v3 =	vperm.xlane v3, v2;
	v4 =	vadd.s32 v1, v4;
	_ =	sdelay $0x1  }
0x2b5: {  	v3 =	vadd.s32 v1, v3;
	_ =	sdelay $0x1  }
0x2b6: {  	s18 =	simm.s32 $0x7100  }
0x2b7: {  	[tilespmem:s18], [sflag:$0x1] =	stream.indirect_vreg.gather [hbm4b:s1+s3], $0x80, v4, vm0, $0xb8;
	[tilespmem:$0x10100] =	vst v63  }
0x2b8: {  	s19 =	simm.s32 $0x7900  }
0x2b9: {  	[tilespmem:s19], [sflag:$0x1] =	stream.indirect_vreg.gather [hbm4b:s1+s3], $0x80, v3, vm0, $0xb8;
	[tilespmem:$0x10100] =	vst v63  }
0x2ba: {  	_ =	swait.ge [sflag:s15], $0x8000  }
0x2bb: {  	[sflag:s15] =	ssyncset.done $0x0  }
0x2bc: {  	s18 =	rddreg [dreg:$0x10];
	[sflag:s15] =	ssyncadd.s32 $0xFFFF8000  }
0x2bd: {  	[hbm4b:s18+s3] =	stream.linear.scatter [tilespmem:s23], [sflag:$0x4], $0x8000, $0x38;
	[tilespmem:$0x10100] =	vst v63  }
0x2be: {  	_ =	swait.ge [sflag:s16], $0x8000  }
0x2bf: {  	[sflag:s16] =	ssyncset.done $0x0  }
0x2c0: {  	s2 =	simm.s32 $0x80;
	s19 =	rddreg [dreg:$0x11];
	[sflag:s16] =	ssyncadd.s32 $0xFFFF8000  }
0x2c1: {  	[tilespmem:s2], [sflag:$0x5] =	stream.linear.gather [hbm4b:s19+s3], $0x80, $0x38;
	[tilespmem:$0x10100] =	vst v63  }
0x2c2: {  	_ =	swait.ge [sflag:s5], $0x80  }
0x2c3: {  	[sflag:s5] =	ssyncset.done $0x0  }
0x2c4: {  	[sflag:s5] =	ssyncadd.s32 $0xFFFFFF80  }
0x2c5: {  	v3 =	vld [tilespmem:$0x80];
	_ =	sdelay $0x4  }
0x2c6: {  	v56 =	vshll.u32 v3, $0x1  }
0x2c7: {  	v3 =	vand.u32 $0x7, v3;
	v4 =	vand.u32 $0xFFFFFFF0, v56  }
0x2c8: {  	v3 =	vor.u32 v3, v4  }
0x2c9: {  	v4 =	vperm.xlane v3, v0;
	_ =	sdelay $0x1  }
0x2ca: {  	v3 =	vperm.xlane v3, v2;
	v4 =	vadd.s32 v1, v4;
	_ =	sdelay $0x1  }
0x2cb: {  	v3 =	vadd.s32 v1, v3;
	_ =	sdelay $0x2  }
0x2cc: {  	[tilespmem:s23], [sflag:$0x2] =	stream.indirect_vreg.gather [hbm4b:s1+s3], $0x80, v4, vm0, $0xb8;
	[tilespmem:$0x10100] =	vst v63  }
0x2cd: {  	s6 =	simm.s32 $0x8900  }
0x2ce: {  	[tilespmem:s6], [sflag:$0x2] =	stream.indirect_vreg.gather [hbm4b:s1+s3], $0x80, v3, vm0, $0xb8;
	[tilespmem:$0x10100] =	vst v63  }
0x2cf: {  	v3 =	vld [tilespmem:$0x90];
	_ =	sdelay $0x4  }
0x2d0: {  	v57 =	vshll.u32 v3, $0x1  }
0x2d1: {  	v3 =	vand.u32 $0x7, v3;
	v4 =	vand.u32 $0xFFFFFFF0, v57  }
0x2d2: {  	v3 =	vor.u32 v3, v4  }
0x2d3: {  	v4 =	vperm.xlane v3, v0;
	_ =	sdelay $0x1  }
0x2d4: {  	v3 =	vperm.xlane v3, v2;
	v4 =	vadd.s32 v1, v4;
	_ =	sdelay $0x1  }
0x2d5: {  	v3 =	vadd.s32 v1, v3;
	_ =	sdelay $0x1  }
0x2d6: {  	s0 =	simm.s32 $0x9100  }
0x2d7: {  	[tilespmem:s0], [sflag:$0x2] =	stream.indirect_vreg.gather [hbm4b:s1+s3], $0x80, v4, vm0, $0xb8;
	[tilespmem:$0x10100] =	vst v63  }
0x2d8: {  	s7 =	simm.s32 $0x9900  }
0x2d9: {  	[tilespmem:s7], [sflag:$0x2] =	stream.indirect_vreg.gather [hbm4b:s1+s3], $0x80, v3, vm0, $0xb8;
	[tilespmem:$0x10100] =	vst v63  }
0x2da: {  	v3 =	vld [tilespmem:$0xA0];
	_ =	sdelay $0x4  }
0x2db: {  	v58 =	vshll.u32 v3, $0x1  }
0x2dc: {  	v3 =	vand.u32 $0x7, v3;
	v4 =	vand.u32 $0xFFFFFFF0, v58  }
0x2dd: {  	v3 =	vor.u32 v3, v4  }
0x2de: {  	v4 =	vperm.xlane v3, v0;
	_ =	sdelay $0x1  }
0x2df: {  	v3 =	vperm.xlane v3, v2;
	v4 =	vadd.s32 v1, v4;
	_ =	sdelay $0x1  }
0x2e0: {  	v3 =	vadd.s32 v1, v3;
	_ =	sdelay $0x1  }
0x2e1: {  	s29 =	simm.s32 $0xA100  }
0x2e2: {  	[tilespmem:s29], [sflag:$0x2] =	stream.indirect_vreg.gather [hbm4b:s1+s3], $0x80, v4, vm0, $0xb8;
	[tilespmem:$0x10100] =	vst v63  }
0x2e3: {  	s30 =	simm.s32 $0xA900  }
0x2e4: {  	[tilespmem:s30], [sflag:$0x2] =	stream.indirect_vreg.gather [hbm4b:s1+s3], $0x80, v3, vm0, $0xb8;
	[tilespmem:$0x10100] =	vst v63  }
0x2e5: {  	v3 =	vld [tilespmem:$0xB0];
	_ =	sdelay $0x4  }
0x2e6: {  	v59 =	vshll.u32 v3, $0x1  }
0x2e7: {  	v3 =	vand.u32 $0x7, v3;
	v4 =	vand.u32 $0xFFFFFFF0, v59  }
0x2e8: {  	v3 =	vor.u32 v3, v4  }
0x2e9: {  	v4 =	vperm.xlane v3, v0;
	_ =	sdelay $0x1  }
0x2ea: {  	v3 =	vperm.xlane v3, v2;
	v4 =	vadd.s32 v1, v4;
	_ =	sdelay $0x1  }
0x2eb: {  	v3 =	vadd.s32 v1, v3;
	_ =	sdelay $0x1  }
0x2ec: {  	s26 =	simm.s32 $0xB100  }
0x2ed: {  	[tilespmem:s26], [sflag:$0x2] =	stream.indirect_vreg.gather [hbm4b:s1+s3], $0x80, v4, vm0, $0xb8;
	[tilespmem:$0x10100] =	vst v63  }
0x2ee: {  	s22 =	simm.s32 $0xB900  }
0x2ef: {  	[tilespmem:s22], [sflag:$0x2] =	stream.indirect_vreg.gather [hbm4b:s1+s3], $0x80, v3, vm0, $0xb8;
	[tilespmem:$0x10100] =	vst v63  }
0x2f0: {  	v3 =	vld [tilespmem:$0xC0];
	_ =	sdelay $0x4  }
0x2f1: {  	v60 =	vshll.u32 v3, $0x1  }
0x2f2: {  	v3 =	vand.u32 $0x7, v3;
	v4 =	vand.u32 $0xFFFFFFF0, v60  }
0x2f3: {  	v3 =	vor.u32 v3, v4  }
0x2f4: {  	v4 =	vperm.xlane v3, v0;
	_ =	sdelay $0x1  }
0x2f5: {  	v3 =	vperm.xlane v3, v2;
	v4 =	vadd.s32 v1, v4;
	_ =	sdelay $0x1  }
0x2f6: {  	v3 =	vadd.s32 v1, v3;
	_ =	sdelay $0x1  }
0x2f7: {  	s24 =	simm.s32 $0xC100  }
0x2f8: {  	[tilespmem:s24], [sflag:$0x2] =	stream.indirect_vreg.gather [hbm4b:s1+s3], $0x80, v4, vm0, $0xb8;
	[tilespmem:$0x10100] =	vst v63  }
0x2f9: {  	s24 =	simm.s32 $0xC900  }
0x2fa: {  	[tilespmem:s24], [sflag:$0x2] =	stream.indirect_vreg.gather [hbm4b:s1+s3], $0x80, v3, vm0, $0xb8;
	[tilespmem:$0x10100] =	vst v63  }
0x2fb: {  	v3 =	vld [tilespmem:$0xD0];
	_ =	sdelay $0x4  }
0x2fc: {  	v61 =	vshll.u32 v3, $0x1  }
0x2fd: {  	v3 =	vand.u32 $0x7, v3;
	v4 =	vand.u32 $0xFFFFFFF0, v61  }
0x2fe: {  	v3 =	vor.u32 v3, v4  }
0x2ff: {  	v4 =	vperm.xlane v3, v0;
	_ =	sdelay $0x1  }
0x300: {  	v3 =	vperm.xlane v3, v2;
	v4 =	vadd.s32 v1, v4;
	_ =	sdelay $0x1  }
0x301: {  	v3 =	vadd.s32 v1, v3;
	_ =	sdelay $0x1  }
0x302: {  	s25 =	simm.s32 $0xD100  }
0x303: {  	[tilespmem:s25], [sflag:$0x2] =	stream.indirect_vreg.gather [hbm4b:s1+s3], $0x80, v4, vm0, $0xb8;
	[tilespmem:$0x10100] =	vst v63  }
0x304: {  	s26 =	simm.s32 $0xD900  }
0x305: {  	[tilespmem:s26], [sflag:$0x2] =	stream.indirect_vreg.gather [hbm4b:s1+s3], $0x80, v3, vm0, $0xb8;
	[tilespmem:$0x10100] =	vst v63  }
0x306: {  	v3 =	vld [tilespmem:$0xE0];
	_ =	sdelay $0x4  }
0x307: {  	v62 =	vshll.u32 v3, $0x1  }
0x308: {  	v3 =	vand.u32 $0x7, v3;
	v4 =	vand.u32 $0xFFFFFFF0, v62  }
0x309: {  	v3 =	vor.u32 v3, v4  }
0x30a: {  	v4 =	vperm.xlane v3, v0;
	_ =	sdelay $0x1  }
0x30b: {  	v3 =	vperm.xlane v3, v2;
	v4 =	vadd.s32 v1, v4;
	_ =	sdelay $0x1  }
0x30c: {  	v3 =	vadd.s32 v1, v3;
	_ =	sdelay $0x1  }
0x30d: {  	s28 =	simm.s32 $0xE100  }
0x30e: {  	[tilespmem:s28], [sflag:$0x2] =	stream.indirect_vreg.gather [hbm4b:s1+s3], $0x80, v4, vm0, $0xb8;
	[tilespmem:$0x10100] =	vst v63  }
0x30f: {  	s28 =	simm.s32 $0xE900  }
0x310: {  	[tilespmem:s28], [sflag:$0x2] =	stream.indirect_vreg.gather [hbm4b:s1+s3], $0x80, v3, vm0, $0xb8;
	[tilespmem:$0x10100] =	vst v63  }
0x311: {  	v3 =	vld [tilespmem:$0xF0];
	_ =	sdelay $0x4  }
0x312: {  	v63 =	vshll.u32 v3, $0x1  }
0x313: {  	v3 =	vand.u32 $0x7, v3;
	v4 =	vand.u32 $0xFFFFFFF0, v63  }
0x314: {  	v3 =	vor.u32 v3, v4  }
0x315: {  	v4 =	vperm.xlane v3, v0;
	_ =	sdelay $0x1  }
0x316: {  	v3 =	vperm.xlane v3, v2;
	v4 =	vadd.s32 v1, v4;
	_ =	sdelay $0x1  }
0x317: {  	v3 =	vadd.s32 v1, v3;
	_ =	sdelay $0x1  }
0x318: {  	s20 =	simm.s32 $0xF100  }
0x319: {  	[tilespmem:s20], [sflag:$0x2] =	stream.indirect_vreg.gather [hbm4b:s1+s3], $0x80, v4, vm0, $0xb8;
	[tilespmem:$0x10100] =	vst v63  }
0x31a: {  	s21 =	simm.s32 $0xF900  }
0x31b: {  	[tilespmem:s21], [sflag:$0x2] =	stream.indirect_vreg.gather [hbm4b:s1+s3], $0x80, v3, vm0, $0xb8;
	[tilespmem:$0x10100] =	vst v63  }
0x31c: {  	_ =	swait.ge [sflag:s13], $0x8000  }
0x31d: {  	[sflag:s13] =	ssyncset.done $0x0  }
0x31e: {  	s29 =	rddreg [dreg:$0x12];
	[sflag:s13] =	ssyncadd.s32 $0xFFFF8000  }
0x31f: {  	[hbm4b:s29+s3] =	stream.linear.scatter [tilespmem:s31], [sflag:$0x3], $0x8000, $0x38;
	[tilespmem:$0x10100] =	vst v63  }
0x320: {  	_ =	swait.ge [sflag:s15], $0x8000  }
0x321: {  	[sflag:s15] =	ssyncset.done $0x0  }
0x322: {  	s30 =	rddreg [dreg:$0x13];
	[sflag:s15] =	ssyncadd.s32 $0xFFFF8000  }
0x323: {  	[hbm4b:s30+s3] =	stream.linear.scatter [tilespmem:s23], [sflag:$0x4], $0x8000, $0x38;
	[tilespmem:$0x10100] =	vst v63  }
0x324: {  	p0 =	sne.s32 s4, $0x1;
	_ =	swait.ge [sflag:s14], $0x8000  }
.Ltmp0:
0x325: {  	[sflag:s14] =	ssyncset.done $0x0;
	(pc) =	sbr.rel @p0 .LBB2_1-.Ltmp0, $4  }
0x326: {  	[sflag:s14] =	ssyncadd.s32 $0xFFFF8000  }
0x327: {  	_ =	swait.ge [sflag:s16], $0x8000  }
0x328: {  	[sflag:s16] =	ssyncset.done $0x0  }
0x329: {  	s4 =	sadd.s32 $0xFFFFFFFF, s4;
	[sflag:s16] =	ssyncadd.s32 $0xFFFF8000  }
0x32a: {  	_ =	sfence.sel $0x180000  }
0x32b: {  	[bflag:$0x0] =	sbarrier.arrive $0xFFFF  }
0x32c: {  	_ =	strace $0x90000047  }
0x32d: {  	s0 =	stileid.u32;
	[bflag:$0x2] =	sbarrier.arrive $0xFFFF  }
0x32e: {  	p0 =	sne.s32 s0, $0x0;
	s0 =	rddreg [dreg:$0x3]  }
0x32f: {  	s0 =	sadd.s32 @!p0 $0x100000, s0  }
0x330: {  	[sflag:s0] =	ssyncadd.tile.s32 @!p0 $0x1;
	_ =	shalt  }
.Lfunc_end2:
_tile_overlayer_lowered:
.L_overlay_start_2:
0x331: {  	(tag) =	ssettag $0x2  }
0x332: {  	s0 =	rddreg [dreg:$0x0];
	s2 =	stileid.u32  }
0x333: {  	s1 =	rddreg [dreg:$0x1];
	p0 =	sne.s32 s2, $0x0  }
0x334: {  	s3 =	rddreg [dreg:$0x2];
	[bflag:$0x3] =	sbarrier.arrive $0xFFFF;
	s2 =	simm.s32 @!p0 $0x1C05  }
0x335: {  	[timem:s3], [sflag:s2] =	dma.local @!p0 [hbm:s0], s1  }
0x336: {  	s0 =	simm.s32 @!p0 $0x5  }
0x337: {  	_ =	swait.ge @!p0 [sflag:s0], s1  }
0x338: {  	s1 =	ssub.s32 @!p0 $0x0, s1;
	[sflag:s0] =	ssyncset.done @!p0 $0x0  }
0x339: {  	[sflag:s0] =	ssyncadd.s32 @!p0 s1  }
0x33a: {  	[bflag:$0x3] =	sbarrier.arrive $0xFFFF  }
0x33b: {  	_ =	shalt  }

</sc_bundles>
